<compile_context>
chip_gen: v7x
topology: tpu7x:2x2x1
jax: 0.10.2.dev20260603
libtpu: 0.0.44.dev20260713+nightly
codegen_flags: <defaults>
</compile_context>

<pallas_src>
import functools

import jax
import jax.numpy as jnp
from jax import lax
from jax.experimental import pallas as pl
from jax.experimental.pallas import tpu as pltpu
from jax.experimental.pallas import tpu_sc as plsc

_K = 16
_BT = 8
_P = 2048
_NPTS = _BT * _P
_NE = _NPTS * _K

_TPA = 256
_TPC = 256


def _knn_body(xyzp_ref, xyzT_ref, idx_ref):
    b = pl.program_id(0)
    xt = xyzp_ref[0]
    xT = xyzT_ref[0]
    sq_t = jnp.sum(xt * xt, axis=1)
    sq_f = jnp.sum(xT * xT, axis=0)
    dots = lax.dot_general(xt, xT, (((1,), (0,)), ((), ())),
                           preferred_element_type=jnp.float32)
    d2 = sq_t[:, None] + sq_f[None, :] - 2.0 * dots
    d2c = jnp.maximum(d2, jnp.float32(1.1754944e-38))
    iota = lax.broadcasted_iota(jnp.int32, d2.shape, 1)
    packed = lax.bitcast_convert_type(
        (lax.bitcast_convert_type(d2c, jnp.int32) & jnp.int32(~0x7FF))
        | iota, jnp.float32)
    a = [packed[:, i * 128:(i + 1) * 128] for i in range(16)]
    s2 = [(jnp.minimum(a[2 * i], a[2 * i + 1]),
           jnp.maximum(a[2 * i], a[2 * i + 1])) for i in range(8)]
    s4 = []
    for i in range(4):
        (x1, x2), (y1, y2) = s2[2 * i], s2[2 * i + 1]
        z1 = jnp.minimum(x1, y1)
        t = jnp.maximum(x1, y1)
        z4 = jnp.maximum(x2, y2)
        s = jnp.minimum(x2, y2)
        s4.append((z1, jnp.minimum(t, s), jnp.maximum(t, s), z4))
    lo4 = []
    for i in range(2):
        (x1, x2, x3, x4), (y1, y2, y3, y4) = s4[2 * i], s4[2 * i + 1]
        m1 = jnp.minimum(x1, y4)
        m2 = jnp.minimum(x2, y3)
        m3 = jnp.minimum(x3, y2)
        m4 = jnp.minimum(x4, y1)
        u1 = jnp.minimum(m1, m3)
        u3 = jnp.maximum(m1, m3)
        u2 = jnp.minimum(m2, m4)
        u4 = jnp.maximum(m2, m4)
        lo4.append((jnp.minimum(u1, u2), jnp.maximum(u1, u2),
                    jnp.minimum(u3, u4), jnp.maximum(u3, u4)))
    (x1, x2, x3, x4), (y1, y2, y3, y4) = lo4
    cand = jnp.concatenate(
        [jnp.minimum(x1, y4), jnp.minimum(x2, y3),
         jnp.minimum(x3, y2), jnp.minimum(x4, y1)], axis=1)

    base = b * _P
    cols = []
    for j in range(_K):
        m = jnp.min(cand, axis=1, keepdims=True)
        am = lax.bitcast_convert_type(m[:, 0], jnp.int32) & jnp.int32(0x7FF)
        cols.append(am[:, None] + base)
        if j < _K - 1:
            cand = jnp.where(cand == m, jnp.float32(jnp.inf), cand)
    idx_ref[0] = jnp.concatenate(cols, axis=1)


_A_GRID = (_BT, _P // _TPA)
_A_IN_SPECS = [
    pl.BlockSpec((1, _TPA, 8), lambda b, t: (b, t, 0)),
    pl.BlockSpec((1, 8, _P), lambda b, t: (b, 0, 0)),
]
_A_OUT_SPEC = pl.BlockSpec((1, _TPA, _K), lambda b, t: (b, t, 0))
_A_OUT_SHAPE = jax.ShapeDtypeStruct((_BT, _P, _K), jnp.int32)


def _knn(xyzp, xyzT):
    return pl.pallas_call(
        _knn_body,
        grid=_A_GRID,
        in_specs=_A_IN_SPECS,
        out_specs=_A_OUT_SPEC,
        out_shape=_A_OUT_SHAPE,
    )(xyzp, xyzT)



_NW = 32
_BPW = _NE // _NW
_CH = 4096
_HALF = _BPW // 2
_NCH = _HALF // _CH


def _gather_body(table_hbm, idx_hbm, out_hbm, idx_v, rows_v, sem):
    c = lax.axis_index("c")
    s = lax.axis_index("s")
    wid = s * 2 + c
    base = wid * _BPW
    pltpu.sync_copy(idx_hbm.at[pl.ds(base, _BPW)], idx_v)
    for h in range(2):
        def issue(ci, carry):
            off = h * _HALF + ci * _CH
            pltpu.async_copy(
                table_hbm.at[idx_v.at[pl.ds(off, _CH)]],
                rows_v.at[pl.ds(ci * _CH, _CH)],
                sem,
            )
            return carry
        lax.fori_loop(0, _NCH, issue, 0)
        out_slice = out_hbm.at[pl.ds(base + h * _HALF, _HALF)]
        pltpu.make_async_copy(out_slice, rows_v, sem).wait()
        pltpu.sync_copy(rows_v, out_slice)


@functools.cache
def _gather_kernel():
    return functools.partial(
        pl.kernel,
        out_type=jax.ShapeDtypeStruct((_NE, 16), jnp.float32),
        mesh=plsc.VectorSubcoreMesh(core_axis_name="c", subcore_axis_name="s"),
        scratch_types=[
            pltpu.VMEM((_BPW,), jnp.int32),
            pltpu.VMEM((_HALF, 16), jnp.float32),
            pltpu.SemaphoreType.DMA,
        ],
        compiler_params=pltpu.CompilerParams(use_tc_tiling_on_sc=False),
    )(_gather_body)


def _gather(table, gidx):
    return _gather_kernel()(table, gidx)



def _h1_tile(xp_ref, xj_ref, wu_ref, wv_ref):
    u = lax.dot_general(xp_ref[...], wu_ref[...], (((1,), (0,)), ((), ())),
                        preferred_element_type=jnp.float32)
    vj = lax.dot_general(xj_ref[...], wv_ref[...], (((1,), (0,)), ((), ())),
                         preferred_element_type=jnp.float32)
    h1 = vj.reshape(_TPC, _K, 64) + u[:, None, :]
    return h1.reshape(_TPC * _K, 64)


def _gelu(z):
    return z * 0.5 * (1.0 + lax.erf(z * 0.7071067811865476))


def _moments(h, width, o_ref):
    ps = jnp.sum(h.reshape(-1, 8, width), axis=0)
    pq = jnp.sum((h * h).reshape(-1, 8, width), axis=0)
    acc = jnp.concatenate([ps, pq], axis=0)

    @pl.when(pl.program_id(0) == 0)
    def _():
        o_ref[...] = jnp.zeros_like(o_ref)

    o_ref[...] += acc


def _stats1_body(xp_ref, xj_ref, wu_ref, wv_ref, o_ref):
    h1 = _h1_tile(xp_ref, xj_ref, wu_ref, wv_ref)
    _moments(h1, 64, o_ref)


def _stats2_body(xp_ref, xj_ref, wu_ref, wv_ref, sc1_ref, w2_ref, o_ref):
    h1 = _h1_tile(xp_ref, xj_ref, wu_ref, wv_ref)
    g = _gelu(h1 * sc1_ref[0:1, :] + sc1_ref[1:2, :])
    h2 = lax.dot_general(g, w2_ref[...], (((1,), (0,)), ((), ())),
                         preferred_element_type=jnp.float32)
    _moments(h2, 128, o_ref)


def _final_body(xp_ref, xj_ref, wu_ref, wv_ref, sc1_ref, w2_ref, sc2_ref,
                o_ref):
    h1 = _h1_tile(xp_ref, xj_ref, wu_ref, wv_ref)
    g = _gelu(h1 * sc1_ref[0:1, :] + sc1_ref[1:2, :])
    h2 = lax.dot_general(g, w2_ref[...], (((1,), (0,)), ((), ())),
                         preferred_element_type=jnp.float32)
    y = _gelu(h2 * sc2_ref[0:1, :] + sc2_ref[1:2, :])
    o_ref[...] = jnp.max(y.reshape(_TPC, _K, 128), axis=1)


_C_GRID = (_NPTS // _TPC,)
_XP_SPEC = pl.BlockSpec((_TPC, 8), lambda t: (t, 0))
_XJ_SPEC = pl.BlockSpec((_TPC * _K, 16), lambda t: (t, 0))
_WU_SPEC = pl.BlockSpec((8, 64), lambda t: (0, 0))
_WV_SPEC = pl.BlockSpec((16, 64), lambda t: (0, 0))
_SC1_SPEC = pl.BlockSpec((8, 64), lambda t: (0, 0))
_W2_SPEC = pl.BlockSpec((64, 128), lambda t: (0, 0))
_SC2_SPEC = pl.BlockSpec((8, 128), lambda t: (0, 0))
_ST1_SPEC = pl.BlockSpec((16, 64), lambda t: (0, 0))
_ST2_SPEC = pl.BlockSpec((16, 128), lambda t: (0, 0))
_Y_SPEC = pl.BlockSpec((_TPC, 128), lambda t: (t, 0))

_ST1_SHAPE = jax.ShapeDtypeStruct((16, 64), jnp.float32)
_ST2_SHAPE = jax.ShapeDtypeStruct((16, 128), jnp.float32)
_Y_SHAPE = jax.ShapeDtypeStruct((_NPTS, 128), jnp.float32)


def _stats1(xp, xj, wu, wv):
    return pl.pallas_call(
        _stats1_body,
        grid=_C_GRID,
        in_specs=[_XP_SPEC, _XJ_SPEC, _WU_SPEC, _WV_SPEC],
        out_specs=_ST1_SPEC,
        out_shape=_ST1_SHAPE,
    )(xp, xj, wu, wv)


def _stats2(xp, xj, wu, wv, sc1, w2t):
    return pl.pallas_call(
        _stats2_body,
        grid=_C_GRID,
        in_specs=[_XP_SPEC, _XJ_SPEC, _WU_SPEC, _WV_SPEC, _SC1_SPEC,
                  _W2_SPEC],
        out_specs=_ST2_SPEC,
        out_shape=_ST2_SHAPE,
    )(xp, xj, wu, wv, sc1, w2t)


def _final(xp, xj, wu, wv, sc1, w2t, sc2):
    return pl.pallas_call(
        _final_body,
        grid=_C_GRID,
        in_specs=[_XP_SPEC, _XJ_SPEC, _WU_SPEC, _WV_SPEC, _SC1_SPEC,
                  _W2_SPEC, _SC2_SPEC],
        out_specs=_Y_SPEC,
        out_shape=_Y_SHAPE,
    )(xp, xj, wu, wv, sc1, w2t, sc2)


def _bn_coeffs(stats, gamma, beta, n):
    s = jnp.sum(stats[:8], axis=0)
    q = jnp.sum(stats[8:], axis=0)
    mu = s / n
    var = q / n - mu * mu
    a = gamma * lax.rsqrt(var + 1e-5)
    c = beta - mu * a
    width = a.shape[0]
    return jnp.concatenate(
        [a[None, :], c[None, :], jnp.zeros((6, width), jnp.float32)], axis=0)



def kernel(x, W1, g1, b1, W2, g2, b2):
    BT, P, C = x.shape
    xyz = x[..., :3]
    xyzp = jnp.pad(xyz, ((0, 0), (0, 0), (0, 5)))
    xyzT = jnp.swapaxes(xyzp, 1, 2)
    idx = _knn(xyzp, xyzT)

    xf = x.reshape(BT * P, C)
    table = jnp.pad(xf, ((0, 0), (0, 9)))
    xj = _gather(table, idx.reshape(-1))

    xp8 = jnp.pad(xf, ((0, 0), (0, 1)))
    wu = jnp.pad((W1[:, :7] - W1[:, 7:]).T, ((0, 1), (0, 0)))
    wv = jnp.pad(W1[:, 7:].T, ((0, 9), (0, 0)))
    w2t = W2.T

    st1 = _stats1(xp8, xj, wu, wv)
    sc1 = _bn_coeffs(st1, g1, b1, float(_NE))
    st2 = _stats2(xp8, xj, wu, wv, sc1, w2t)
    sc2 = _bn_coeffs(st2, g2, b2, float(_NE))
    y = _final(xp8, xj, wu, wv, sc1, w2t, sc2)
    return y.reshape(BT, P, 128)

# --- scband reference (transcript-rebuilt; emitter-appended) ---
"""Pipeline reference for scband-edge-conv-7086696038574 (READ-ONLY COPY).

The authoritative reference and input builder live on the scoring server;
editing this copy changes nothing except your own understanding.
"""

import jax, jax.numpy as jnp
import numpy as np


def setup_inputs(seed: int = 0) -> dict:
    key = jax.random.key(seed)
    ks = jax.random.split(key, 3)
    x = jax.random.normal(ks[0], (8, 2048, 7), dtype=jnp.float32)
    W1 = jax.random.normal(ks[1], (64, 14), dtype=jnp.float32) * 0.1
    g1 = jnp.ones((64,), jnp.float32)
    b1 = jnp.zeros((64,), jnp.float32)
    W2 = jax.random.normal(ks[2], (128, 64), dtype=jnp.float32) * 0.1
    g2 = jnp.ones((128,), jnp.float32)
    b2 = jnp.zeros((128,), jnp.float32)
    return {"x": x, "W1": W1, "g1": g1, "b1": b1, "W2": W2, "g2": g2, "b2": b2}


def _bn(h, g, b, eps=1e-5):
    # BatchNorm2d in training mode: stats over (batch, spatial) = (BT, P, k); channel last here
    mu = h.mean(axis=(0, 1, 2), keepdims=True)
    var = h.var(axis=(0, 1, 2), keepdims=True)
    return (h - mu) / jnp.sqrt(var + eps) * g + b


def reference(x, W1, g1, b1, W2, g2, b2):
    k = 16
    BT, P, C = x.shape
    xyz = x[..., :3]
    # knn_xyz: torch.cdist + topk smallest -> same indices from squared distances
    sq = jnp.sum(xyz * xyz, axis=-1)
    d2 = sq[:, :, None] + sq[:, None, :] - 2.0 * jnp.einsum('bpc,bqc->bpq', xyz, xyz)
    _, idx = jax.lax.top_k(-d2, k)  # [BT, P, k]
    # gather_neighbors
    x_j = jax.vmap(lambda xb, ib: xb[ib])(x, idx)  # [BT, P, k, C]
    x_i = jnp.broadcast_to(x[:, :, None, :], (BT, P, k, C))
    edge = jnp.concatenate([x_i, x_j - x_i], axis=-1)  # [BT, P, k, 2C]
    # mlp: Conv2d(2C,64,1,bias=False) -> BN -> GELU -> Conv2d(64,128,1,bias=False) -> BN -> GELU
    h = jnp.einsum('bpkc,oc->bpko', edge, W1)
    h = jax.nn.gelu(_bn(h, g1, b1), approximate=False)
    h = jnp.einsum('bpkc,oc->bpko', h, W2)
    h = jax.nn.gelu(_bn(h, g2, b2), approximate=False)
    # max over neighbors, output [BT, P, out_ch]
    return h.max(axis=2)

if __name__ == "__main__":
    import jax
    _d = setup_inputs()
    print(jax.jit(kernel)(*tuple(_d.values())))

</pallas_src>

<mosaic_0001>
#map = affine_map<(d0, d1) -> (0, 0)>
#map1 = affine_map<(d0, d1) -> (0)>
module attributes {stable_mosaic.version = 14 : i64} {
  func.func @_gather_body(%arg0: i32, %arg1: i32, %arg2: memref<16384x16xf32, #tpu.memory_space<hbm>>, %arg3: memref<262144xi32, #tpu.memory_space<hbm>>, %arg4: memref<262144x16xf32, #tpu.memory_space<hbm>>, %arg5: memref<8192xi32, #tpu.memory_space<vmem>>, %arg6: memref<4096x16xf32, #tpu.memory_space<vmem>>, %arg7: memref<!tpu.dma_semaphore, #tpu.memory_space<semaphore_mem>>) attributes {dimension_semantics = [#tpu.dimension_semantics<core_parallel>, #tpu.dimension_semantics<subcore_parallel>], iteration_bounds = array<i64: 2, 16>, scalar_prefetch = 0 : i64, scratch_operands = 3 : i64, tpu.core_type = #tpu.core_type<sc_vector_subcore>, window_params = [{transform_indices = #map}, {transform_indices = #map1}, {transform_indices = #map}]} {
    %mul3A = arith.constant 2 : i32
    %mul3A_0 = arith.muli %arg1, %mul3A : i32
    %add3A = arith.addi %mul3A_0, %arg0 : i32
    %mul3A_1 = arith.constant 8192 : i32
    %mul3A_2 = arith.muli %add3A, %mul3A_1 : i32
    "tpu.region"() ({
      %run_scoped3A = tpu.sem_alloc : memref<!tpu.dma_semaphore, #tpu.memory_space<semaphore_mem>>
      %dma_start3A_42 = tpu.memref_slice %arg3[%mul3A_2] : memref<262144xi32, #tpu.memory_space<hbm>> -> memref<8192xi32, #tpu.memory_space<hbm>>
      %dma_start3A_43 = tpu.memref_slice %arg3[%mul3A_2] : memref<262144xi32, #tpu.memory_space<hbm>> -> memref<8192xi32, #tpu.memory_space<hbm>>
      tpu.enqueue_dma source(%dma_start3A_43 : memref<8192xi32, #tpu.memory_space<hbm>>) target(%arg5 : memref<8192xi32, #tpu.memory_space<vmem>>) target_semaphore(%run_scoped3A : memref<!tpu.dma_semaphore, #tpu.memory_space<semaphore_mem>>)
      %dma_wait3A_44 = tpu.memref_slice %arg3[%mul3A_2] : memref<262144xi32, #tpu.memory_space<hbm>> -> memref<8192xi32, #tpu.memory_space<hbm>>
      %dma_wait3A_45 = tpu.memref_slice %arg3[%mul3A_2] : memref<262144xi32, #tpu.memory_space<hbm>> -> memref<8192xi32, #tpu.memory_space<hbm>>
      tpu.wait_dma2 semaphore(%run_scoped3A : memref<!tpu.dma_semaphore, #tpu.memory_space<semaphore_mem>>) src(%dma_wait3A_45 : memref<8192xi32, #tpu.memory_space<hbm>>) dst(%arg5 : memref<8192xi32, #tpu.memory_space<vmem>>)
      tpu.yield
    }) : () -> ()
    %scan3A = arith.constant 0 : i32
    %scan3A_3 = arith.constant 0 : i32
    %mul3A_4 = arith.constant 4096 : i32
    %mul3A_5 = arith.muli %scan3A_3, %mul3A_4 : i32
    %add3A_6 = arith.constant 0 : i32
    %add3A_7 = arith.addi %add3A_6, %mul3A_5 : i32
    %mul3A_8 = arith.constant 4096 : i32
    %mul3A_9 = arith.muli %scan3A_3, %mul3A_8 : i32
    %dma_start3A = arith.constant 0 : i32
    %dma_start3A_10 = tpu.memref_slice %arg6[%mul3A_9, %dma_start3A] : memref<4096x16xf32, #tpu.memory_space<vmem>> -> memref<4096x16xf32, #tpu.memory_space<vmem>>
    %dma_start3A_11 = tpu.memref_slice %arg5[%add3A_7] : memref<8192xi32, #tpu.memory_space<vmem>> -> memref<4096xi32, #tpu.memory_space<vmem>>
    %dma_start3A_12 = arith.constant 0 : i32
    %dma_start3A_13 = arith.constant 0 : i32
    %dma_start3A_14 = tpu.memref_slice %arg2[%dma_start3A_12, %dma_start3A_13] : memref<16384x16xf32, #tpu.memory_space<hbm>> -> memref<16384x16xf32, #tpu.memory_space<hbm>>
    tpu.enqueue_indirect_dma source(%dma_start3A_14 : memref<16384x16xf32, #tpu.memory_space<hbm>>) target(%dma_start3A_10 : memref<4096x16xf32, #tpu.memory_space<vmem>>) offsets(%dma_start3A_11 : memref<4096xi32, #tpu.memory_space<vmem>>) semaphore(%arg7 : memref<!tpu.dma_semaphore, #tpu.memory_space<semaphore_mem>>)
    %scan3A_15 = arith.constant 1 : i32
    %add3A_16 = arith.constant 0 : i32
    %add3A_17 = arith.addi %mul3A_2, %add3A_16 : i32
    %dma_wait3A = arith.constant 0 : i32
    %dma_wait3A_18 = tpu.memref_slice %arg4[%add3A_17, %dma_wait3A] : memref<262144x16xf32, #tpu.memory_space<hbm>> -> memref<4096x16xf32, #tpu.memory_space<hbm>>
    %dma_wait3A_19 = arith.constant 0 : i32
    %dma_wait3A_20 = tpu.memref_slice %arg4[%add3A_17, %dma_wait3A_19] : memref<262144x16xf32, #tpu.memory_space<hbm>> -> memref<4096x16xf32, #tpu.memory_space<hbm>>
    tpu.wait_dma2 semaphore(%arg7 : memref<!tpu.dma_semaphore, #tpu.memory_space<semaphore_mem>>) src(%dma_wait3A_20 : memref<4096x16xf32, #tpu.memory_space<hbm>>) dst(%arg6 : memref<4096x16xf32, #tpu.memory_space<vmem>>)
    "tpu.region"() ({
      %run_scoped3A = tpu.sem_alloc : memref<!tpu.dma_semaphore, #tpu.memory_space<semaphore_mem>>
      %dma_start3A_42 = arith.constant 0 : i32
      %dma_start3A_43 = tpu.memref_slice %arg4[%add3A_17, %dma_start3A_42] : memref<262144x16xf32, #tpu.memory_space<hbm>> -> memref<4096x16xf32, #tpu.memory_space<hbm>>
      %dma_start3A_44 = arith.constant 0 : i32
      %dma_start3A_45 = tpu.memref_slice %arg4[%add3A_17, %dma_start3A_44] : memref<262144x16xf32, #tpu.memory_space<hbm>> -> memref<4096x16xf32, #tpu.memory_space<hbm>>
      tpu.enqueue_dma source(%arg6 : memref<4096x16xf32, #tpu.memory_space<vmem>>) target(%dma_start3A_45 : memref<4096x16xf32, #tpu.memory_space<hbm>>) target_semaphore(%run_scoped3A : memref<!tpu.dma_semaphore, #tpu.memory_space<semaphore_mem>>)
      %dma_wait3A_46 = arith.constant 0 : i32
      %dma_wait3A_47 = tpu.memref_slice %arg4[%add3A_17, %dma_wait3A_46] : memref<262144x16xf32, #tpu.memory_space<hbm>> -> memref<4096x16xf32, #tpu.memory_space<hbm>>
      %dma_wait3A_48 = arith.constant 0 : i32
      %dma_wait3A_49 = tpu.memref_slice %arg4[%add3A_17, %dma_wait3A_48] : memref<262144x16xf32, #tpu.memory_space<hbm>> -> memref<4096x16xf32, #tpu.memory_space<hbm>>
      tpu.wait_dma2 semaphore(%run_scoped3A : memref<!tpu.dma_semaphore, #tpu.memory_space<semaphore_mem>>) src(%arg6 : memref<4096x16xf32, #tpu.memory_space<vmem>>) dst(%dma_wait3A_49 : memref<4096x16xf32, #tpu.memory_space<hbm>>)
      tpu.yield
    }) : () -> ()
    %scan3A_21 = arith.constant 0 : i32
    %scan3A_22 = arith.constant 0 : i32
    %mul3A_23 = arith.constant 4096 : i32
    %mul3A_24 = arith.muli %scan3A_22, %mul3A_23 : i32
    %add3A_25 = arith.constant 4096 : i32
    %add3A_26 = arith.addi %add3A_25, %mul3A_24 : i32
    %mul3A_27 = arith.constant 4096 : i32
    %mul3A_28 = arith.muli %scan3A_22, %mul3A_27 : i32
    %dma_start3A_29 = arith.constant 0 : i32
    %dma_start3A_30 = tpu.memref_slice %arg6[%mul3A_28, %dma_start3A_29] : memref<4096x16xf32, #tpu.memory_space<vmem>> -> memref<4096x16xf32, #tpu.memory_space<vmem>>
    %dma_start3A_31 = tpu.memref_slice %arg5[%add3A_26] : memref<8192xi32, #tpu.memory_space<vmem>> -> memref<4096xi32, #tpu.memory_space<vmem>>
    %dma_start3A_32 = arith.constant 0 : i32
    %dma_start3A_33 = arith.constant 0 : i32
    %dma_start3A_34 = tpu.memref_slice %arg2[%dma_start3A_32, %dma_start3A_33] : memref<16384x16xf32, #tpu.memory_space<hbm>> -> memref<16384x16xf32, #tpu.memory_space<hbm>>
    tpu.enqueue_indirect_dma source(%dma_start3A_34 : memref<16384x16xf32, #tpu.memory_space<hbm>>) target(%dma_start3A_30 : memref<4096x16xf32, #tpu.memory_space<vmem>>) offsets(%dma_start3A_31 : memref<4096xi32, #tpu.memory_space<vmem>>) semaphore(%arg7 : memref<!tpu.dma_semaphore, #tpu.memory_space<semaphore_mem>>)
    %scan3A_35 = arith.constant 1 : i32
    %add3A_36 = arith.constant 4096 : i32
    %add3A_37 = arith.addi %mul3A_2, %add3A_36 : i32
    %dma_wait3A_38 = arith.constant 0 : i32
    %dma_wait3A_39 = tpu.memref_slice %arg4[%add3A_37, %dma_wait3A_38] : memref<262144x16xf32, #tpu.memory_space<hbm>> -> memref<4096x16xf32, #tpu.memory_space<hbm>>
    %dma_wait3A_40 = arith.constant 0 : i32
    %dma_wait3A_41 = tpu.memref_slice %arg4[%add3A_37, %dma_wait3A_40] : memref<262144x16xf32, #tpu.memory_space<hbm>> -> memref<4096x16xf32, #tpu.memory_space<hbm>>
    tpu.wait_dma2 semaphore(%arg7 : memref<!tpu.dma_semaphore, #tpu.memory_space<semaphore_mem>>) src(%dma_wait3A_41 : memref<4096x16xf32, #tpu.memory_space<hbm>>) dst(%arg6 : memref<4096x16xf32, #tpu.memory_space<vmem>>)
    "tpu.region"() ({
      %run_scoped3A = tpu.sem_alloc : memref<!tpu.dma_semaphore, #tpu.memory_space<semaphore_mem>>
      %dma_start3A_42 = arith.constant 0 : i32
      %dma_start3A_43 = tpu.memref_slice %arg4[%add3A_37, %dma_start3A_42] : memref<262144x16xf32, #tpu.memory_space<hbm>> -> memref<4096x16xf32, #tpu.memory_space<hbm>>
      %dma_start3A_44 = arith.constant 0 : i32
      %dma_start3A_45 = tpu.memref_slice %arg4[%add3A_37, %dma_start3A_44] : memref<262144x16xf32, #tpu.memory_space<hbm>> -> memref<4096x16xf32, #tpu.memory_space<hbm>>
      tpu.enqueue_dma source(%arg6 : memref<4096x16xf32, #tpu.memory_space<vmem>>) target(%dma_start3A_45 : memref<4096x16xf32, #tpu.memory_space<hbm>>) target_semaphore(%run_scoped3A : memref<!tpu.dma_semaphore, #tpu.memory_space<semaphore_mem>>)
      %dma_wait3A_46 = arith.constant 0 : i32
      %dma_wait3A_47 = tpu.memref_slice %arg4[%add3A_37, %dma_wait3A_46] : memref<262144x16xf32, #tpu.memory_space<hbm>> -> memref<4096x16xf32, #tpu.memory_space<hbm>>
      %dma_wait3A_48 = arith.constant 0 : i32
      %dma_wait3A_49 = tpu.memref_slice %arg4[%add3A_37, %dma_wait3A_48] : memref<262144x16xf32, #tpu.memory_space<hbm>> -> memref<4096x16xf32, #tpu.memory_space<hbm>>
      tpu.wait_dma2 semaphore(%run_scoped3A : memref<!tpu.dma_semaphore, #tpu.memory_space<semaphore_mem>>) src(%arg6 : memref<4096x16xf32, #tpu.memory_space<vmem>>) dst(%dma_wait3A_49 : memref<4096x16xf32, #tpu.memory_space<hbm>>)
      tpu.yield
    }) : () -> ()
    return
  }
}

module attributes {stable_mosaic.version = 14 : i64} {
  func.func @_knn_body(%arg0: i32, %arg1: i32, %arg2: memref<1x256x8xf32, #tpu.memory_space<vmem>>, %arg3: memref<1x8x2048xf32, #tpu.memory_space<vmem>>, %arg4: memref<1x256x16xi32, #tpu.memory_space<vmem>>) attributes {dimension_semantics = [#tpu.dimension_semantics<arbitrary>, #tpu.dimension_semantics<arbitrary>], iteration_bounds = array<i64: 8, 8>, scalar_prefetch = 0 : i64, scratch_operands = 0 : i64, tpu.core_type = #tpu.core_type<tc>, window_params = [{transform_indices = @transform_0, window_bounds = array<i64: 1, 256, 8>}, {transform_indices = @transform_1, window_bounds = array<i64: 1, 8, 2048>}, {transform_indices = @transform_2, window_bounds = array<i64: 1, 256, 16>}]} {
    %get3A = arith.constant 0 : index
    %get3A_0 = arith.constant 0 : index
    %get3A_1 = arith.constant 0 : index
    %get3A_2 = vector.load %arg2[%get3A, %get3A_0, %get3A_1] : memref<1x256x8xf32, #tpu.memory_space<vmem>>, vector<1x256x8xf32>
    %get3A_3 = vector.shape_cast %get3A_2 : vector<1x256x8xf32> to vector<256x8xf32>
    %get3A_4 = arith.constant 0 : index
    %get3A_5 = arith.constant 0 : index
    %get3A_6 = arith.constant 0 : index
    %get3A_7 = vector.load %arg3[%get3A_4, %get3A_5, %get3A_6] : memref<1x8x2048xf32, #tpu.memory_space<vmem>>, vector<1x8x2048xf32>
    %get3A_8 = vector.shape_cast %get3A_7 : vector<1x8x2048xf32> to vector<8x2048xf32>
    %mul3A = arith.mulf %get3A_3, %get3A_3 : vector<256x8xf32>
    %reduce_sum3A = arith.constant dense<0.000000e+00> : vector<256xf32>
    %reduce_sum3A_9 = vector.multi_reduction <add>, %mul3A, %reduce_sum3A [1] : vector<256x8xf32> to vector<256xf32>
    %mul3A_10 = arith.mulf %get3A_8, %get3A_8 : vector<8x2048xf32>
    %reduce_sum3A_11 = arith.constant dense<0.000000e+00> : vector<2048xf32>
    %reduce_sum3A_12 = vector.multi_reduction <add>, %mul3A_10, %reduce_sum3A_11 [0] : vector<8x2048xf32> to vector<2048xf32>
    %dot_general3A = arith.constant dense<0.000000e+00> : vector<256x2048xf32>
    %dot_general3A_13 = tpu.matmul %get3A_3, %get3A_8, %dot_general3A {dimension_numbers = #tpu.dot_dimension_numbers<[1], [0], [0], [1], [0, 0, 1, 1], [], []>, transpose_lhs_hint = false} : vector<256x8xf32>, vector<8x2048xf32>, vector<256x2048xf32> -> vector<256x2048xf32>
    %broadcast_in_dim3A = vector.shape_cast %reduce_sum3A_9 : vector<256xf32> to vector<256x1xf32>
    %broadcast_in_dim3A_14 = vector.shape_cast %reduce_sum3A_12 : vector<2048xf32> to vector<1x2048xf32>
    %add3A = vector.broadcast %broadcast_in_dim3A : vector<256x1xf32> to vector<256x2048xf32>
    %add3A_15 = vector.broadcast %broadcast_in_dim3A_14 : vector<1x2048xf32> to vector<256x2048xf32>
    %add3A_16 = arith.addf %add3A, %add3A_15 : vector<256x2048xf32>
    %mul3A_17 = arith.constant 2.000000e+00 : f32
    %mul3A_18 = vector.broadcast %mul3A_17 : f32 to vector<256x2048xf32>
    %mul3A_19 = arith.mulf %mul3A_18, %dot_general3A_13 : vector<256x2048xf32>
    %sub3A = arith.subf %add3A_16, %mul3A_19 : vector<256x2048xf32>
    %max3A = arith.constant 1.17549435E-38 : f32
    %max3A_20 = vector.broadcast %max3A : f32 to vector<256x2048xf32>
    %max3A_21 = arith.maximumf %sub3A, %max3A_20 : vector<256x2048xf32>
    %iota3A = tpu.iota {dimensions = array<i32: 1>} : vector<256x2048xi32>
    %bitcast_convert_type3A = tpu.bitcast %max3A_21 : vector<256x2048xf32> -> vector<256x2048xi32>
    %and3A = arith.constant -2048 : i32
    %and3A_22 = vector.broadcast %and3A : i32 to vector<256x2048xi32>
    %and3A_23 = arith.andi %bitcast_convert_type3A, %and3A_22 : vector<256x2048xi32>
    %or3A = arith.ori %and3A_23, %iota3A : vector<256x2048xi32>
    %bitcast_convert_type3A_24 = tpu.bitcast %or3A : vector<256x2048xi32> -> vector<256x2048xf32>
    %slice3A = vector.extract_strided_slice %bitcast_convert_type3A_24 {offsets = [0, 0], sizes = [256, 128], strides = [1, 1]} : vector<256x2048xf32> to vector<256x128xf32>
    %slice3A_25 = vector.extract_strided_slice %bitcast_convert_type3A_24 {offsets = [0, 128], sizes = [256, 128], strides = [1, 1]} : vector<256x2048xf32> to vector<256x128xf32>
    %slice3A_26 = vector.extract_strided_slice %bitcast_convert_type3A_24 {offsets = [0, 256], sizes = [256, 128], strides = [1, 1]} : vector<256x2048xf32> to vector<256x128xf32>
    %slice3A_27 = vector.extract_strided_slice %bitcast_convert_type3A_24 {offsets = [0, 384], sizes = [256, 128], strides = [1, 1]} : vector<256x2048xf32> to vector<256x128xf32>
    %slice3A_28 = vector.extract_strided_slice %bitcast_convert_type3A_24 {offsets = [0, 512], sizes = [256, 128], strides = [1, 1]} : vector<256x2048xf32> to vector<256x128xf32>
    %slice3A_29 = vector.extract_strided_slice %bitcast_convert_type3A_24 {offsets = [0, 640], sizes = [256, 128], strides = [1, 1]} : vector<256x2048xf32> to vector<256x128xf32>
    %slice3A_30 = vector.extract_strided_slice %bitcast_convert_type3A_24 {offsets = [0, 768], sizes = [256, 128], strides = [1, 1]} : vector<256x2048xf32> to vector<256x128xf32>
    %slice3A_31 = vector.extract_strided_slice %bitcast_convert_type3A_24 {offsets = [0, 896], sizes = [256, 128], strides = [1, 1]} : vector<256x2048xf32> to vector<256x128xf32>
    %slice3A_32 = vector.extract_strided_slice %bitcast_convert_type3A_24 {offsets = [0, 1024], sizes = [256, 128], strides = [1, 1]} : vector<256x2048xf32> to vector<256x128xf32>
    %slice3A_33 = vector.extract_strided_slice %bitcast_convert_type3A_24 {offsets = [0, 1152], sizes = [256, 128], strides = [1, 1]} : vector<256x2048xf32> to vector<256x128xf32>
    %slice3A_34 = vector.extract_strided_slice %bitcast_convert_type3A_24 {offsets = [0, 1280], sizes = [256, 128], strides = [1, 1]} : vector<256x2048xf32> to vector<256x128xf32>
    %slice3A_35 = vector.extract_strided_slice %bitcast_convert_type3A_24 {offsets = [0, 1408], sizes = [256, 128], strides = [1, 1]} : vector<256x2048xf32> to vector<256x128xf32>
    %slice3A_36 = vector.extract_strided_slice %bitcast_convert_type3A_24 {offsets = [0, 1536], sizes = [256, 128], strides = [1, 1]} : vector<256x2048xf32> to vector<256x128xf32>
    %slice3A_37 = vector.extract_strided_slice %bitcast_convert_type3A_24 {offsets = [0, 1664], sizes = [256, 128], strides = [1, 1]} : vector<256x2048xf32> to vector<256x128xf32>
    %slice3A_38 = vector.extract_strided_slice %bitcast_convert_type3A_24 {offsets = [0, 1792], sizes = [256, 128], strides = [1, 1]} : vector<256x2048xf32> to vector<256x128xf32>
    %slice3A_39 = vector.extract_strided_slice %bitcast_convert_type3A_24 {offsets = [0, 1920], sizes = [256, 128], strides = [1, 1]} : vector<256x2048xf32> to vector<256x128xf32>
    %min3A = arith.minimumf %slice3A, %slice3A_25 : vector<256x128xf32>
    %max3A_40 = arith.maximumf %slice3A, %slice3A_25 : vector<256x128xf32>
    %min3A_41 = arith.minimumf %slice3A_26, %slice3A_27 : vector<256x128xf32>
    %max3A_42 = arith.maximumf %slice3A_26, %slice3A_27 : vector<256x128xf32>
    %min3A_43 = arith.minimumf %slice3A_28, %slice3A_29 : vector<256x128xf32>
    %max3A_44 = arith.maximumf %slice3A_28, %slice3A_29 : vector<256x128xf32>
    %min3A_45 = arith.minimumf %slice3A_30, %slice3A_31 : vector<256x128xf32>
    %max3A_46 = arith.maximumf %slice3A_30, %slice3A_31 : vector<256x128xf32>
    %min3A_47 = arith.minimumf %slice3A_32, %slice3A_33 : vector<256x128xf32>
    %max3A_48 = arith.maximumf %slice3A_32, %slice3A_33 : vector<256x128xf32>
    %min3A_49 = arith.minimumf %slice3A_34, %slice3A_35 : vector<256x128xf32>
    %max3A_50 = arith.maximumf %slice3A_34, %slice3A_35 : vector<256x128xf32>
    %min3A_51 = arith.minimumf %slice3A_36, %slice3A_37 : vector<256x128xf32>
    %max3A_52 = arith.maximumf %slice3A_36, %slice3A_37 : vector<256x128xf32>
    %min3A_53 = arith.minimumf %slice3A_38, %slice3A_39 : vector<256x128xf32>
    %max3A_54 = arith.maximumf %slice3A_38, %slice3A_39 : vector<256x128xf32>
    %min3A_55 = arith.minimumf %min3A, %min3A_41 : vector<256x128xf32>
    %max3A_56 = arith.maximumf %min3A, %min3A_41 : vector<256x128xf32>
    %max3A_57 = arith.maximumf %max3A_40, %max3A_42 : vector<256x128xf32>
    %min3A_58 = arith.minimumf %max3A_40, %max3A_42 : vector<256x128xf32>
    %min3A_59 = arith.minimumf %max3A_56, %min3A_58 : vector<256x128xf32>
    %max3A_60 = arith.maximumf %max3A_56, %min3A_58 : vector<256x128xf32>
    %min3A_61 = arith.minimumf %min3A_43, %min3A_45 : vector<256x128xf32>
    %max3A_62 = arith.maximumf %min3A_43, %min3A_45 : vector<256x128xf32>
    %max3A_63 = arith.maximumf %max3A_44, %max3A_46 : vector<256x128xf32>
    %min3A_64 = arith.minimumf %max3A_44, %max3A_46 : vector<256x128xf32>
    %min3A_65 = arith.minimumf %max3A_62, %min3A_64 : vector<256x128xf32>
    %max3A_66 = arith.maximumf %max3A_62, %min3A_64 : vector<256x128xf32>
    %min3A_67 = arith.minimumf %min3A_47, %min3A_49 : vector<256x128xf32>
    %max3A_68 = arith.maximumf %min3A_47, %min3A_49 : vector<256x128xf32>
    %max3A_69 = arith.maximumf %max3A_48, %max3A_50 : vector<256x128xf32>
    %min3A_70 = arith.minimumf %max3A_48, %max3A_50 : vector<256x128xf32>
    %min3A_71 = arith.minimumf %max3A_68, %min3A_70 : vector<256x128xf32>
    %max3A_72 = arith.maximumf %max3A_68, %min3A_70 : vector<256x128xf32>
    %min3A_73 = arith.minimumf %min3A_51, %min3A_53 : vector<256x128xf32>
    %max3A_74 = arith.maximumf %min3A_51, %min3A_53 : vector<256x128xf32>
    %max3A_75 = arith.maximumf %max3A_52, %max3A_54 : vector<256x128xf32>
    %min3A_76 = arith.minimumf %max3A_52, %max3A_54 : vector<256x128xf32>
    %min3A_77 = arith.minimumf %max3A_74, %min3A_76 : vector<256x128xf32>
    %max3A_78 = arith.maximumf %max3A_74, %min3A_76 : vector<256x128xf32>
    %min3A_79 = arith.minimumf %min3A_55, %max3A_63 : vector<256x128xf32>
    %min3A_80 = arith.minimumf %min3A_59, %max3A_66 : vector<256x128xf32>
    %min3A_81 = arith.minimumf %max3A_60, %min3A_65 : vector<256x128xf32>
    %min3A_82 = arith.minimumf %max3A_57, %min3A_61 : vector<256x128xf32>
    %min3A_83 = arith.minimumf %min3A_79, %min3A_81 : vector<256x128xf32>
    %max3A_84 = arith.maximumf %min3A_79, %min3A_81 : vector<256x128xf32>
    %min3A_85 = arith.minimumf %min3A_80, %min3A_82 : vector<256x128xf32>
    %max3A_86 = arith.maximumf %min3A_80, %min3A_82 : vector<256x128xf32>
    %min3A_87 = arith.minimumf %min3A_83, %min3A_85 : vector<256x128xf32>
    %max3A_88 = arith.maximumf %min3A_83, %min3A_85 : vector<256x128xf32>
    %min3A_89 = arith.minimumf %max3A_84, %max3A_86 : vector<256x128xf32>
    %max3A_90 = arith.maximumf %max3A_84, %max3A_86 : vector<256x128xf32>
    %min3A_91 = arith.minimumf %min3A_67, %max3A_75 : vector<256x128xf32>
    %min3A_92 = arith.minimumf %min3A_71, %max3A_78 : vector<256x128xf32>
    %min3A_93 = arith.minimumf %max3A_72, %min3A_77 : vector<256x128xf32>
    %min3A_94 = arith.minimumf %max3A_69, %min3A_73 : vector<256x128xf32>
    %min3A_95 = arith.minimumf %min3A_91, %min3A_93 : vector<256x128xf32>
    %max3A_96 = arith.maximumf %min3A_91, %min3A_93 : vector<256x128xf32>
    %min3A_97 = arith.minimumf %min3A_92, %min3A_94 : vector<256x128xf32>
    %max3A_98 = arith.maximumf %min3A_92, %min3A_94 : vector<256x128xf32>
    %min3A_99 = arith.minimumf %min3A_95, %min3A_97 : vector<256x128xf32>
    %max3A_100 = arith.maximumf %min3A_95, %min3A_97 : vector<256x128xf32>
    %min3A_101 = arith.minimumf %max3A_96, %max3A_98 : vector<256x128xf32>
    %max3A_102 = arith.maximumf %max3A_96, %max3A_98 : vector<256x128xf32>
    %min3A_103 = arith.minimumf %min3A_87, %max3A_102 : vector<256x128xf32>
    %min3A_104 = arith.minimumf %max3A_88, %min3A_101 : vector<256x128xf32>
    %min3A_105 = arith.minimumf %min3A_89, %max3A_100 : vector<256x128xf32>
    %min3A_106 = arith.minimumf %max3A_90, %min3A_99 : vector<256x128xf32>
    %concatenate3A = tpu.concatenate %min3A_103, %min3A_104, %min3A_105, %min3A_106 in 1 : vector<256x128xf32>, vector<256x128xf32>, vector<256x128xf32>, vector<256x128xf32> -> vector<256x512xf32>
    %mul3A_107 = arith.constant 2048 : i32
    %mul3A_108 = arith.muli %arg0, %mul3A_107 : i32
    %reduce_min3A = arith.constant dense<0x7F800000> : vector<256xf32>
    %reduce_min3A_109 = vector.multi_reduction <minimumf>, %concatenate3A, %reduce_min3A [1] : vector<256x512xf32> to vector<256xf32>
    %broadcast_in_dim3A_110 = vector.shape_cast %reduce_min3A_109 : vector<256xf32> to vector<256x1xf32>
    %squeeze3A = vector.shape_cast %broadcast_in_dim3A_110 : vector<256x1xf32> to vector<256xf32>
    %bitcast_convert_type3A_111 = tpu.bitcast %squeeze3A : vector<256xf32> -> vector<256xi32>
    %and3A_112 = arith.constant 2047 : i32
    %and3A_113 = vector.broadcast %and3A_112 : i32 to vector<256xi32>
    %and3A_114 = arith.andi %bitcast_convert_type3A_111, %and3A_113 : vector<256xi32>
    %broadcast_in_dim3A_115 = vector.shape_cast %and3A_114 : vector<256xi32> to vector<256x1xi32>
    %add3A_116 = vector.broadcast %mul3A_108 : i32 to vector<256x1xi32>
    %add3A_117 = arith.addi %broadcast_in_dim3A_115, %add3A_116 : vector<256x1xi32>
    %eq3A = vector.broadcast %broadcast_in_dim3A_110 : vector<256x1xf32> to vector<256x512xf32>
    %eq3A_118 = arith.cmpf oeq, %concatenate3A, %eq3A : vector<256x512xf32>
    %jit3A = arith.constant 0x7F800000 : f32
    %broadcast_in_dim3A_119 = vector.broadcast %jit3A : f32 to vector<256x512xf32>
    %select_n3A = arith.select %eq3A_118, %broadcast_in_dim3A_119, %concatenate3A : vector<256x512xi1>, vector<256x512xf32>
    %reduce_min3A_120 = arith.constant dense<0x7F800000> : vector<256xf32>
    %reduce_min3A_121 = vector.multi_reduction <minimumf>, %select_n3A, %reduce_min3A_120 [1] : vector<256x512xf32> to vector<256xf32>
    %broadcast_in_dim3A_122 = vector.shape_cast %reduce_min3A_121 : vector<256xf32> to vector<256x1xf32>
    %squeeze3A_123 = vector.shape_cast %broadcast_in_dim3A_122 : vector<256x1xf32> to vector<256xf32>
    %bitcast_convert_type3A_124 = tpu.bitcast %squeeze3A_123 : vector<256xf32> -> vector<256xi32>
    %and3A_125 = arith.constant 2047 : i32
    %and3A_126 = vector.broadcast %and3A_125 : i32 to vector<256xi32>
    %and3A_127 = arith.andi %bitcast_convert_type3A_124, %and3A_126 : vector<256xi32>
    %broadcast_in_dim3A_128 = vector.shape_cast %and3A_127 : vector<256xi32> to vector<256x1xi32>
    %add3A_129 = vector.broadcast %mul3A_108 : i32 to vector<256x1xi32>
    %add3A_130 = arith.addi %broadcast_in_dim3A_128, %add3A_129 : vector<256x1xi32>
    %eq3A_131 = vector.broadcast %broadcast_in_dim3A_122 : vector<256x1xf32> to vector<256x512xf32>
    %eq3A_132 = arith.cmpf oeq, %select_n3A, %eq3A_131 : vector<256x512xf32>
    %jit3A_133 = arith.constant 0x7F800000 : f32
    %broadcast_in_dim3A_134 = vector.broadcast %jit3A_133 : f32 to vector<256x512xf32>
    %select_n3A_135 = arith.select %eq3A_132, %broadcast_in_dim3A_134, %select_n3A : vector<256x512xi1>, vector<256x512xf32>
    %reduce_min3A_136 = arith.constant dense<0x7F800000> : vector<256xf32>
    %reduce_min3A_137 = vector.multi_reduction <minimumf>, %select_n3A_135, %reduce_min3A_136 [1] : vector<256x512xf32> to vector<256xf32>
    %broadcast_in_dim3A_138 = vector.shape_cast %reduce_min3A_137 : vector<256xf32> to vector<256x1xf32>
    %squeeze3A_139 = vector.shape_cast %broadcast_in_dim3A_138 : vector<256x1xf32> to vector<256xf32>
    %bitcast_convert_type3A_140 = tpu.bitcast %squeeze3A_139 : vector<256xf32> -> vector<256xi32>
    %and3A_141 = arith.constant 2047 : i32
    %and3A_142 = vector.broadcast %and3A_141 : i32 to vector<256xi32>
    %and3A_143 = arith.andi %bitcast_convert_type3A_140, %and3A_142 : vector<256xi32>
    %broadcast_in_dim3A_144 = vector.shape_cast %and3A_143 : vector<256xi32> to vector<256x1xi32>
    %add3A_145 = vector.broadcast %mul3A_108 : i32 to vector<256x1xi32>
    %add3A_146 = arith.addi %broadcast_in_dim3A_144, %add3A_145 : vector<256x1xi32>
    %eq3A_147 = vector.broadcast %broadcast_in_dim3A_138 : vector<256x1xf32> to vector<256x512xf32>
    %eq3A_148 = arith.cmpf oeq, %select_n3A_135, %eq3A_147 : vector<256x512xf32>
    %jit3A_149 = arith.constant 0x7F800000 : f32
    %broadcast_in_dim3A_150 = vector.broadcast %jit3A_149 : f32 to vector<256x512xf32>
    %select_n3A_151 = arith.select %eq3A_148, %broadcast_in_dim3A_150, %select_n3A_135 : vector<256x512xi1>, vector<256x512xf32>
    %reduce_min3A_152 = arith.constant dense<0x7F800000> : vector<256xf32>
    %reduce_min3A_153 = vector.multi_reduction <minimumf>, %select_n3A_151, %reduce_min3A_152 [1] : vector<256x512xf32> to vector<256xf32>
    %broadcast_in_dim3A_154 = vector.shape_cast %reduce_min3A_153 : vector<256xf32> to vector<256x1xf32>
    %squeeze3A_155 = vector.shape_cast %broadcast_in_dim3A_154 : vector<256x1xf32> to vector<256xf32>
    %bitcast_convert_type3A_156 = tpu.bitcast %squeeze3A_155 : vector<256xf32> -> vector<256xi32>
    %and3A_157 = arith.constant 2047 : i32
    %and3A_158 = vector.broadcast %and3A_157 : i32 to vector<256xi32>
    %and3A_159 = arith.andi %bitcast_convert_type3A_156, %and3A_158 : vector<256xi32>
    %broadcast_in_dim3A_160 = vector.shape_cast %and3A_159 : vector<256xi32> to vector<256x1xi32>
    %add3A_161 = vector.broadcast %mul3A_108 : i32 to vector<256x1xi32>
    %add3A_162 = arith.addi %broadcast_in_dim3A_160, %add3A_161 : vector<256x1xi32>
    %eq3A_163 = vector.broadcast %broadcast_in_dim3A_154 : vector<256x1xf32> to vector<256x512xf32>
    %eq3A_164 = arith.cmpf oeq, %select_n3A_151, %eq3A_163 : vector<256x512xf32>
    %jit3A_165 = arith.constant 0x7F800000 : f32
    %broadcast_in_dim3A_166 = vector.broadcast %jit3A_165 : f32 to vector<256x512xf32>
    %select_n3A_167 = arith.select %eq3A_164, %broadcast_in_dim3A_166, %select_n3A_151 : vector<256x512xi1>, vector<256x512xf32>
    %reduce_min3A_168 = arith.constant dense<0x7F800000> : vector<256xf32>
    %reduce_min3A_169 = vector.multi_reduction <minimumf>, %select_n3A_167, %reduce_min3A_168 [1] : vector<256x512xf32> to vector<256xf32>
    %broadcast_in_dim3A_170 = vector.shape_cast %reduce_min3A_169 : vector<256xf32> to vector<256x1xf32>
    %squeeze3A_171 = vector.shape_cast %broadcast_in_dim3A_170 : vector<256x1xf32> to vector<256xf32>
    %bitcast_convert_type3A_172 = tpu.bitcast %squeeze3A_171 : vector<256xf32> -> vector<256xi32>
    %and3A_173 = arith.constant 2047 : i32
    %and3A_174 = vector.broadcast %and3A_173 : i32 to vector<256xi32>
    %and3A_175 = arith.andi %bitcast_convert_type3A_172, %and3A_174 : vector<256xi32>
    %broadcast_in_dim3A_176 = vector.shape_cast %and3A_175 : vector<256xi32> to vector<256x1xi32>
    %add3A_177 = vector.broadcast %mul3A_108 : i32 to vector<256x1xi32>
    %add3A_178 = arith.addi %broadcast_in_dim3A_176, %add3A_177 : vector<256x1xi32>
    %eq3A_179 = vector.broadcast %broadcast_in_dim3A_170 : vector<256x1xf32> to vector<256x512xf32>
    %eq3A_180 = arith.cmpf oeq, %select_n3A_167, %eq3A_179 : vector<256x512xf32>
    %jit3A_181 = arith.constant 0x7F800000 : f32
    %broadcast_in_dim3A_182 = vector.broadcast %jit3A_181 : f32 to vector<256x512xf32>
    %select_n3A_183 = arith.select %eq3A_180, %broadcast_in_dim3A_182, %select_n3A_167 : vector<256x512xi1>, vector<256x512xf32>
    %reduce_min3A_184 = arith.constant dense<0x7F800000> : vector<256xf32>
    %reduce_min3A_185 = vector.multi_reduction <minimumf>, %select_n3A_183, %reduce_min3A_184 [1] : vector<256x512xf32> to vector<256xf32>
    %broadcast_in_dim3A_186 = vector.shape_cast %reduce_min3A_185 : vector<256xf32> to vector<256x1xf32>
    %squeeze3A_187 = vector.shape_cast %broadcast_in_dim3A_186 : vector<256x1xf32> to vector<256xf32>
    %bitcast_convert_type3A_188 = tpu.bitcast %squeeze3A_187 : vector<256xf32> -> vector<256xi32>
    %and3A_189 = arith.constant 2047 : i32
    %and3A_190 = vector.broadcast %and3A_189 : i32 to vector<256xi32>
    %and3A_191 = arith.andi %bitcast_convert_type3A_188, %and3A_190 : vector<256xi32>
    %broadcast_in_dim3A_192 = vector.shape_cast %and3A_191 : vector<256xi32> to vector<256x1xi32>
    %add3A_193 = vector.broadcast %mul3A_108 : i32 to vector<256x1xi32>
    %add3A_194 = arith.addi %broadcast_in_dim3A_192, %add3A_193 : vector<256x1xi32>
    %eq3A_195 = vector.broadcast %broadcast_in_dim3A_186 : vector<256x1xf32> to vector<256x512xf32>
    %eq3A_196 = arith.cmpf oeq, %select_n3A_183, %eq3A_195 : vector<256x512xf32>
    %jit3A_197 = arith.constant 0x7F800000 : f32
    %broadcast_in_dim3A_198 = vector.broadcast %jit3A_197 : f32 to vector<256x512xf32>
    %select_n3A_199 = arith.select %eq3A_196, %broadcast_in_dim3A_198, %select_n3A_183 : vector<256x512xi1>, vector<256x512xf32>
    %reduce_min3A_200 = arith.constant dense<0x7F800000> : vector<256xf32>
    %reduce_min3A_201 = vector.multi_reduction <minimumf>, %select_n3A_199, %reduce_min3A_200 [1] : vector<256x512xf32> to vector<256xf32>
    %broadcast_in_dim3A_202 = vector.shape_cast %reduce_min3A_201 : vector<256xf32> to vector<256x1xf32>
    %squeeze3A_203 = vector.shape_cast %broadcast_in_dim3A_202 : vector<256x1xf32> to vector<256xf32>
    %bitcast_convert_type3A_204 = tpu.bitcast %squeeze3A_203 : vector<256xf32> -> vector<256xi32>
    %and3A_205 = arith.constant 2047 : i32
    %and3A_206 = vector.broadcast %and3A_205 : i32 to vector<256xi32>
    %and3A_207 = arith.andi %bitcast_convert_type3A_204, %and3A_206 : vector<256xi32>
    %broadcast_in_dim3A_208 = vector.shape_cast %and3A_207 : vector<256xi32> to vector<256x1xi32>
    %add3A_209 = vector.broadcast %mul3A_108 : i32 to vector<256x1xi32>
    %add3A_210 = arith.addi %broadcast_in_dim3A_208, %add3A_209 : vector<256x1xi32>
    %eq3A_211 = vector.broadcast %broadcast_in_dim3A_202 : vector<256x1xf32> to vector<256x512xf32>
    %eq3A_212 = arith.cmpf oeq, %select_n3A_199, %eq3A_211 : vector<256x512xf32>
    %jit3A_213 = arith.constant 0x7F800000 : f32
    %broadcast_in_dim3A_214 = vector.broadcast %jit3A_213 : f32 to vector<256x512xf32>
    %select_n3A_215 = arith.select %eq3A_212, %broadcast_in_dim3A_214, %select_n3A_199 : vector<256x512xi1>, vector<256x512xf32>
    %reduce_min3A_216 = arith.constant dense<0x7F800000> : vector<256xf32>
    %reduce_min3A_217 = vector.multi_reduction <minimumf>, %select_n3A_215, %reduce_min3A_216 [1] : vector<256x512xf32> to vector<256xf32>
    %broadcast_in_dim3A_218 = vector.shape_cast %reduce_min3A_217 : vector<256xf32> to vector<256x1xf32>
    %squeeze3A_219 = vector.shape_cast %broadcast_in_dim3A_218 : vector<256x1xf32> to vector<256xf32>
    %bitcast_convert_type3A_220 = tpu.bitcast %squeeze3A_219 : vector<256xf32> -> vector<256xi32>
    %and3A_221 = arith.constant 2047 : i32
    %and3A_222 = vector.broadcast %and3A_221 : i32 to vector<256xi32>
    %and3A_223 = arith.andi %bitcast_convert_type3A_220, %and3A_222 : vector<256xi32>
    %broadcast_in_dim3A_224 = vector.shape_cast %and3A_223 : vector<256xi32> to vector<256x1xi32>
    %add3A_225 = vector.broadcast %mul3A_108 : i32 to vector<256x1xi32>
    %add3A_226 = arith.addi %broadcast_in_dim3A_224, %add3A_225 : vector<256x1xi32>
    %eq3A_227 = vector.broadcast %broadcast_in_dim3A_218 : vector<256x1xf32> to vector<256x512xf32>
    %eq3A_228 = arith.cmpf oeq, %select_n3A_215, %eq3A_227 : vector<256x512xf32>
    %jit3A_229 = arith.constant 0x7F800000 : f32
    %broadcast_in_dim3A_230 = vector.broadcast %jit3A_229 : f32 to vector<256x512xf32>
    %select_n3A_231 = arith.select %eq3A_228, %broadcast_in_dim3A_230, %select_n3A_215 : vector<256x512xi1>, vector<256x512xf32>
    %reduce_min3A_232 = arith.constant dense<0x7F800000> : vector<256xf32>
    %reduce_min3A_233 = vector.multi_reduction <minimumf>, %select_n3A_231, %reduce_min3A_232 [1] : vector<256x512xf32> to vector<256xf32>
    %broadcast_in_dim3A_234 = vector.shape_cast %reduce_min3A_233 : vector<256xf32> to vector<256x1xf32>
    %squeeze3A_235 = vector.shape_cast %broadcast_in_dim3A_234 : vector<256x1xf32> to vector<256xf32>
    %bitcast_convert_type3A_236 = tpu.bitcast %squeeze3A_235 : vector<256xf32> -> vector<256xi32>
    %and3A_237 = arith.constant 2047 : i32
    %and3A_238 = vector.broadcast %and3A_237 : i32 to vector<256xi32>
    %and3A_239 = arith.andi %bitcast_convert_type3A_236, %and3A_238 : vector<256xi32>
    %broadcast_in_dim3A_240 = vector.shape_cast %and3A_239 : vector<256xi32> to vector<256x1xi32>
    %add3A_241 = vector.broadcast %mul3A_108 : i32 to vector<256x1xi32>
    %add3A_242 = arith.addi %broadcast_in_dim3A_240, %add3A_241 : vector<256x1xi32>
    %eq3A_243 = vector.broadcast %broadcast_in_dim3A_234 : vector<256x1xf32> to vector<256x512xf32>
    %eq3A_244 = arith.cmpf oeq, %select_n3A_231, %eq3A_243 : vector<256x512xf32>
    %jit3A_245 = arith.constant 0x7F800000 : f32
    %broadcast_in_dim3A_246 = vector.broadcast %jit3A_245 : f32 to vector<256x512xf32>
    %select_n3A_247 = arith.select %eq3A_244, %broadcast_in_dim3A_246, %select_n3A_231 : vector<256x512xi1>, vector<256x512xf32>
    %reduce_min3A_248 = arith.constant dense<0x7F800000> : vector<256xf32>
    %reduce_min3A_249 = vector.multi_reduction <minimumf>, %select_n3A_247, %reduce_min3A_248 [1] : vector<256x512xf32> to vector<256xf32>
    %broadcast_in_dim3A_250 = vector.shape_cast %reduce_min3A_249 : vector<256xf32> to vector<256x1xf32>
    %squeeze3A_251 = vector.shape_cast %broadcast_in_dim3A_250 : vector<256x1xf32> to vector<256xf32>
    %bitcast_convert_type3A_252 = tpu.bitcast %squeeze3A_251 : vector<256xf32> -> vector<256xi32>
    %and3A_253 = arith.constant 2047 : i32
    %and3A_254 = vector.broadcast %and3A_253 : i32 to vector<256xi32>
    %and3A_255 = arith.andi %bitcast_convert_type3A_252, %and3A_254 : vector<256xi32>
    %broadcast_in_dim3A_256 = vector.shape_cast %and3A_255 : vector<256xi32> to vector<256x1xi32>
    %add3A_257 = vector.broadcast %mul3A_108 : i32 to vector<256x1xi32>
    %add3A_258 = arith.addi %broadcast_in_dim3A_256, %add3A_257 : vector<256x1xi32>
    %eq3A_259 = vector.broadcast %broadcast_in_dim3A_250 : vector<256x1xf32> to vector<256x512xf32>
    %eq3A_260 = arith.cmpf oeq, %select_n3A_247, %eq3A_259 : vector<256x512xf32>
    %jit3A_261 = arith.constant 0x7F800000 : f32
    %broadcast_in_dim3A_262 = vector.broadcast %jit3A_261 : f32 to vector<256x512xf32>
    %select_n3A_263 = arith.select %eq3A_260, %broadcast_in_dim3A_262, %select_n3A_247 : vector<256x512xi1>, vector<256x512xf32>
    %reduce_min3A_264 = arith.constant dense<0x7F800000> : vector<256xf32>
    %reduce_min3A_265 = vector.multi_reduction <minimumf>, %select_n3A_263, %reduce_min3A_264 [1] : vector<256x512xf32> to vector<256xf32>
    %broadcast_in_dim3A_266 = vector.shape_cast %reduce_min3A_265 : vector<256xf32> to vector<256x1xf32>
    %squeeze3A_267 = vector.shape_cast %broadcast_in_dim3A_266 : vector<256x1xf32> to vector<256xf32>
    %bitcast_convert_type3A_268 = tpu.bitcast %squeeze3A_267 : vector<256xf32> -> vector<256xi32>
    %and3A_269 = arith.constant 2047 : i32
    %and3A_270 = vector.broadcast %and3A_269 : i32 to vector<256xi32>
    %and3A_271 = arith.andi %bitcast_convert_type3A_268, %and3A_270 : vector<256xi32>
    %broadcast_in_dim3A_272 = vector.shape_cast %and3A_271 : vector<256xi32> to vector<256x1xi32>
    %add3A_273 = vector.broadcast %mul3A_108 : i32 to vector<256x1xi32>
    %add3A_274 = arith.addi %broadcast_in_dim3A_272, %add3A_273 : vector<256x1xi32>
    %eq3A_275 = vector.broadcast %broadcast_in_dim3A_266 : vector<256x1xf32> to vector<256x512xf32>
    %eq3A_276 = arith.cmpf oeq, %select_n3A_263, %eq3A_275 : vector<256x512xf32>
    %jit3A_277 = arith.constant 0x7F800000 : f32
    %broadcast_in_dim3A_278 = vector.broadcast %jit3A_277 : f32 to vector<256x512xf32>
    %select_n3A_279 = arith.select %eq3A_276, %broadcast_in_dim3A_278, %select_n3A_263 : vector<256x512xi1>, vector<256x512xf32>
    %reduce_min3A_280 = arith.constant dense<0x7F800000> : vector<256xf32>
    %reduce_min3A_281 = vector.multi_reduction <minimumf>, %select_n3A_279, %reduce_min3A_280 [1] : vector<256x512xf32> to vector<256xf32>
    %broadcast_in_dim3A_282 = vector.shape_cast %reduce_min3A_281 : vector<256xf32> to vector<256x1xf32>
    %squeeze3A_283 = vector.shape_cast %broadcast_in_dim3A_282 : vector<256x1xf32> to vector<256xf32>
    %bitcast_convert_type3A_284 = tpu.bitcast %squeeze3A_283 : vector<256xf32> -> vector<256xi32>
    %and3A_285 = arith.constant 2047 : i32
    %and3A_286 = vector.broadcast %and3A_285 : i32 to vector<256xi32>
    %and3A_287 = arith.andi %bitcast_convert_type3A_284, %and3A_286 : vector<256xi32>
    %broadcast_in_dim3A_288 = vector.shape_cast %and3A_287 : vector<256xi32> to vector<256x1xi32>
    %add3A_289 = vector.broadcast %mul3A_108 : i32 to vector<256x1xi32>
    %add3A_290 = arith.addi %broadcast_in_dim3A_288, %add3A_289 : vector<256x1xi32>
    %eq3A_291 = vector.broadcast %broadcast_in_dim3A_282 : vector<256x1xf32> to vector<256x512xf32>
    %eq3A_292 = arith.cmpf oeq, %select_n3A_279, %eq3A_291 : vector<256x512xf32>
    %jit3A_293 = arith.constant 0x7F800000 : f32
    %broadcast_in_dim3A_294 = vector.broadcast %jit3A_293 : f32 to vector<256x512xf32>
    %select_n3A_295 = arith.select %eq3A_292, %broadcast_in_dim3A_294, %select_n3A_279 : vector<256x512xi1>, vector<256x512xf32>
    %reduce_min3A_296 = arith.constant dense<0x7F800000> : vector<256xf32>
    %reduce_min3A_297 = vector.multi_reduction <minimumf>, %select_n3A_295, %reduce_min3A_296 [1] : vector<256x512xf32> to vector<256xf32>
    %broadcast_in_dim3A_298 = vector.shape_cast %reduce_min3A_297 : vector<256xf32> to vector<256x1xf32>
    %squeeze3A_299 = vector.shape_cast %broadcast_in_dim3A_298 : vector<256x1xf32> to vector<256xf32>
    %bitcast_convert_type3A_300 = tpu.bitcast %squeeze3A_299 : vector<256xf32> -> vector<256xi32>
    %and3A_301 = arith.constant 2047 : i32
    %and3A_302 = vector.broadcast %and3A_301 : i32 to vector<256xi32>
    %and3A_303 = arith.andi %bitcast_convert_type3A_300, %and3A_302 : vector<256xi32>
    %broadcast_in_dim3A_304 = vector.shape_cast %and3A_303 : vector<256xi32> to vector<256x1xi32>
    %add3A_305 = vector.broadcast %mul3A_108 : i32 to vector<256x1xi32>
    %add3A_306 = arith.addi %broadcast_in_dim3A_304, %add3A_305 : vector<256x1xi32>
    %eq3A_307 = vector.broadcast %broadcast_in_dim3A_298 : vector<256x1xf32> to vector<256x512xf32>
    %eq3A_308 = arith.cmpf oeq, %select_n3A_295, %eq3A_307 : vector<256x512xf32>
    %jit3A_309 = arith.constant 0x7F800000 : f32
    %broadcast_in_dim3A_310 = vector.broadcast %jit3A_309 : f32 to vector<256x512xf32>
    %select_n3A_311 = arith.select %eq3A_308, %broadcast_in_dim3A_310, %select_n3A_295 : vector<256x512xi1>, vector<256x512xf32>
    %reduce_min3A_312 = arith.constant dense<0x7F800000> : vector<256xf32>
    %reduce_min3A_313 = vector.multi_reduction <minimumf>, %select_n3A_311, %reduce_min3A_312 [1] : vector<256x512xf32> to vector<256xf32>
    %broadcast_in_dim3A_314 = vector.shape_cast %reduce_min3A_313 : vector<256xf32> to vector<256x1xf32>
    %squeeze3A_315 = vector.shape_cast %broadcast_in_dim3A_314 : vector<256x1xf32> to vector<256xf32>
    %bitcast_convert_type3A_316 = tpu.bitcast %squeeze3A_315 : vector<256xf32> -> vector<256xi32>
    %and3A_317 = arith.constant 2047 : i32
    %and3A_318 = vector.broadcast %and3A_317 : i32 to vector<256xi32>
    %and3A_319 = arith.andi %bitcast_convert_type3A_316, %and3A_318 : vector<256xi32>
    %broadcast_in_dim3A_320 = vector.shape_cast %and3A_319 : vector<256xi32> to vector<256x1xi32>
    %add3A_321 = vector.broadcast %mul3A_108 : i32 to vector<256x1xi32>
    %add3A_322 = arith.addi %broadcast_in_dim3A_320, %add3A_321 : vector<256x1xi32>
    %eq3A_323 = vector.broadcast %broadcast_in_dim3A_314 : vector<256x1xf32> to vector<256x512xf32>
    %eq3A_324 = arith.cmpf oeq, %select_n3A_311, %eq3A_323 : vector<256x512xf32>
    %jit3A_325 = arith.constant 0x7F800000 : f32
    %broadcast_in_dim3A_326 = vector.broadcast %jit3A_325 : f32 to vector<256x512xf32>
    %select_n3A_327 = arith.select %eq3A_324, %broadcast_in_dim3A_326, %select_n3A_311 : vector<256x512xi1>, vector<256x512xf32>
    %reduce_min3A_328 = arith.constant dense<0x7F800000> : vector<256xf32>
    %reduce_min3A_329 = vector.multi_reduction <minimumf>, %select_n3A_327, %reduce_min3A_328 [1] : vector<256x512xf32> to vector<256xf32>
    %broadcast_in_dim3A_330 = vector.shape_cast %reduce_min3A_329 : vector<256xf32> to vector<256x1xf32>
    %squeeze3A_331 = vector.shape_cast %broadcast_in_dim3A_330 : vector<256x1xf32> to vector<256xf32>
    %bitcast_convert_type3A_332 = tpu.bitcast %squeeze3A_331 : vector<256xf32> -> vector<256xi32>
    %and3A_333 = arith.constant 2047 : i32
    %and3A_334 = vector.broadcast %and3A_333 : i32 to vector<256xi32>
    %and3A_335 = arith.andi %bitcast_convert_type3A_332, %and3A_334 : vector<256xi32>
    %broadcast_in_dim3A_336 = vector.shape_cast %and3A_335 : vector<256xi32> to vector<256x1xi32>
    %add3A_337 = vector.broadcast %mul3A_108 : i32 to vector<256x1xi32>
    %add3A_338 = arith.addi %broadcast_in_dim3A_336, %add3A_337 : vector<256x1xi32>
    %eq3A_339 = vector.broadcast %broadcast_in_dim3A_330 : vector<256x1xf32> to vector<256x512xf32>
    %eq3A_340 = arith.cmpf oeq, %select_n3A_327, %eq3A_339 : vector<256x512xf32>
    %jit3A_341 = arith.constant 0x7F800000 : f32
    %broadcast_in_dim3A_342 = vector.broadcast %jit3A_341 : f32 to vector<256x512xf32>
    %select_n3A_343 = arith.select %eq3A_340, %broadcast_in_dim3A_342, %select_n3A_327 : vector<256x512xi1>, vector<256x512xf32>
    %reduce_min3A_344 = arith.constant dense<0x7F800000> : vector<256xf32>
    %reduce_min3A_345 = vector.multi_reduction <minimumf>, %select_n3A_343, %reduce_min3A_344 [1] : vector<256x512xf32> to vector<256xf32>
    %broadcast_in_dim3A_346 = vector.shape_cast %reduce_min3A_345 : vector<256xf32> to vector<256x1xf32>
    %squeeze3A_347 = vector.shape_cast %broadcast_in_dim3A_346 : vector<256x1xf32> to vector<256xf32>
    %bitcast_convert_type3A_348 = tpu.bitcast %squeeze3A_347 : vector<256xf32> -> vector<256xi32>
    %and3A_349 = arith.constant 2047 : i32
    %and3A_350 = vector.broadcast %and3A_349 : i32 to vector<256xi32>
    %and3A_351 = arith.andi %bitcast_convert_type3A_348, %and3A_350 : vector<256xi32>
    %broadcast_in_dim3A_352 = vector.shape_cast %and3A_351 : vector<256xi32> to vector<256x1xi32>
    %add3A_353 = vector.broadcast %mul3A_108 : i32 to vector<256x1xi32>
    %add3A_354 = arith.addi %broadcast_in_dim3A_352, %add3A_353 : vector<256x1xi32>
    %concatenate3A_355 = tpu.concatenate %add3A_117, %add3A_130, %add3A_146, %add3A_162, %add3A_178, %add3A_194, %add3A_210, %add3A_226, %add3A_242, %add3A_258, %add3A_274, %add3A_290, %add3A_306, %add3A_322, %add3A_338, %add3A_354 in 1 : vector<256x1xi32>, vector<256x1xi32>, vector<256x1xi32>, vector<256x1xi32>, vector<256x1xi32>, vector<256x1xi32>, vector<256x1xi32>, vector<256x1xi32>, vector<256x1xi32>, vector<256x1xi32>, vector<256x1xi32>, vector<256x1xi32>, vector<256x1xi32>, vector<256x1xi32>, vector<256x1xi32>, vector<256x1xi32> -> vector<256x16xi32>
    %swap3A = arith.constant 0 : index
    %swap3A_356 = arith.constant 0 : index
    %swap3A_357 = arith.constant 0 : index
    %swap3A_358 = vector.load %arg4[%swap3A, %swap3A_356, %swap3A_357] : memref<1x256x16xi32, #tpu.memory_space<vmem>>, vector<1x256x16xi32>
    %swap3A_359 = vector.shape_cast %swap3A_358 : vector<1x256x16xi32> to vector<256x16xi32>
    %swap3A_360 = vector.shape_cast %concatenate3A_355 : vector<256x16xi32> to vector<1x256x16xi32>
    tpu.vector_store %arg4[%swap3A, %swap3A_356, %swap3A_357], %swap3A_360 {strides = array<i32>} : memref<1x256x16xi32, #tpu.memory_space<vmem>>, vector<1x256x16xi32>,
    return
  }
  func.func @transform_0(%arg0: i32, %arg1: i32) -> (i32, i32, i32) {
    %c0_i32 = arith.constant 0 : i32
    %c0_i32_0 = arith.constant 0 : i32
    return %arg0, %arg1, %c0_i32 : i32, i32, i32
  }
  func.func @transform_1(%arg0: i32, %arg1: i32) -> (i32, i32, i32) {
    %c0_i32 = arith.constant 0 : i32
    %c0_i32_0 = arith.constant 0 : i32
    %c0_i32_1 = arith.constant 0 : i32
    return %arg0, %c0_i32, %c0_i32_0 : i32, i32, i32
  }
  func.func @transform_2(%arg0: i32, %arg1: i32) -> (i32, i32, i32) {
    %c0_i32 = arith.constant 0 : i32
    %c0_i32_0 = arith.constant 0 : i32
    return %arg0, %arg1, %c0_i32 : i32, i32, i32
  }
}

module attributes {stable_mosaic.version = 14 : i64} {
  func.func @_stats1_body(%arg0: i32, %arg1: memref<256x8xf32, #tpu.memory_space<vmem>>, %arg2: memref<4096x16xf32, #tpu.memory_space<vmem>>, %arg3: memref<8x64xf32, #tpu.memory_space<vmem>>, %arg4: memref<16x64xf32, #tpu.memory_space<vmem>>, %arg5: memref<16x64xf32, #tpu.memory_space<vmem>>) attributes {dimension_semantics = [#tpu.dimension_semantics<arbitrary>], iteration_bounds = array<i64: 64>, scalar_prefetch = 0 : i64, scratch_operands = 0 : i64, tpu.core_type = #tpu.core_type<tc>, window_params = [{transform_indices = @transform_0, window_bounds = array<i64: 256, 8>}, {transform_indices = @transform_1, window_bounds = array<i64: 4096, 16>}, {pipeline_mode = #tpu.pipeline_mode<synchronous>, transform_indices = @transform_2, window_bounds = array<i64: 8, 64>}, {pipeline_mode = #tpu.pipeline_mode<synchronous>, transform_indices = @transform_3, window_bounds = array<i64: 16, 64>}, {pipeline_mode = #tpu.pipeline_mode<synchronous>, transform_indices = @transform_4, window_bounds = array<i64: 16, 64>}]} {
    %get3A = arith.constant 0 : index
    %get3A_0 = arith.constant 0 : index
    %get3A_1 = vector.load %arg1[%get3A, %get3A_0] : memref<256x8xf32, #tpu.memory_space<vmem>>, vector<256x8xf32>
    %get3A_2 = arith.constant 0 : index
    %get3A_3 = arith.constant 0 : index
    %get3A_4 = vector.load %arg3[%get3A_2, %get3A_3] : memref<8x64xf32, #tpu.memory_space<vmem>>, vector<8x64xf32>
    %dot_general3A = arith.constant dense<0.000000e+00> : vector<256x64xf32>
    %dot_general3A_5 = tpu.matmul %get3A_1, %get3A_4, %dot_general3A {dimension_numbers = #tpu.dot_dimension_numbers<[1], [0], [0], [1], [0, 0, 1, 1], [], []>, transpose_lhs_hint = false} : vector<256x8xf32>, vector<8x64xf32>, vector<256x64xf32> -> vector<256x64xf32>
    %get3A_6 = arith.constant 0 : index
    %get3A_7 = arith.constant 0 : index
    %get3A_8 = vector.load %arg2[%get3A_6, %get3A_7] : memref<4096x16xf32, #tpu.memory_space<vmem>>, vector<4096x16xf32>
    %get3A_9 = arith.constant 0 : index
    %get3A_10 = arith.constant 0 : index
    %get3A_11 = vector.load %arg4[%get3A_9, %get3A_10] : memref<16x64xf32, #tpu.memory_space<vmem>>, vector<16x64xf32>
    %dot_general3A_12 = arith.constant dense<0.000000e+00> : vector<4096x64xf32>
    %dot_general3A_13 = tpu.matmul %get3A_8, %get3A_11, %dot_general3A_12 {dimension_numbers = #tpu.dot_dimension_numbers<[1], [0], [0], [1], [0, 0, 1, 1], [], []>, transpose_lhs_hint = false} : vector<4096x16xf32>, vector<16x64xf32>, vector<4096x64xf32> -> vector<4096x64xf32>
    %reshape3A = vector.shape_cast %dot_general3A_13 : vector<4096x64xf32> to vector<256x16x64xf32>
    %broadcast_in_dim3A = vector.shape_cast %dot_general3A_5 : vector<256x64xf32> to vector<256x1x64xf32>
    %add3A = vector.broadcast %broadcast_in_dim3A : vector<256x1x64xf32> to vector<256x16x64xf32>
    %add3A_14 = arith.addf %reshape3A, %add3A : vector<256x16x64xf32>
    %reshape3A_15 = vector.shape_cast %add3A_14 : vector<256x16x64xf32> to vector<4096x64xf32>
    %reshape3A_16 = vector.shape_cast %reshape3A_15 : vector<4096x64xf32> to vector<512x8x64xf32>
    %reduce_sum3A = arith.constant dense<0.000000e+00> : vector<8x64xf32>
    %reduce_sum3A_17 = vector.multi_reduction <add>, %reshape3A_16, %reduce_sum3A [0] : vector<512x8x64xf32> to vector<8x64xf32>
    %mul3A = arith.mulf %reshape3A_15, %reshape3A_15 : vector<4096x64xf32>
    %reshape3A_18 = vector.shape_cast %mul3A : vector<4096x64xf32> to vector<512x8x64xf32>
    %reduce_sum3A_19 = arith.constant dense<0.000000e+00> : vector<8x64xf32>
    %reduce_sum3A_20 = vector.multi_reduction <add>, %reshape3A_18, %reduce_sum3A_19 [0] : vector<512x8x64xf32> to vector<8x64xf32>
    %concatenate3A = tpu.concatenate %reduce_sum3A_17, %reduce_sum3A_20 in 0 : vector<8x64xf32>, vector<8x64xf32> -> vector<16x64xf32>
    %eq3A = arith.constant 0 : i32
    %eq3A_21 = arith.cmpi eq, %arg0, %eq3A : i32
    %convert_element_type3A = arith.extui %eq3A_21 : i1 to i32
    %cond3A = arith.constant 0 : i32
    %cond3A_22 = arith.cmpi ne, %convert_element_type3A, %cond3A : i32
    scf.if %cond3A_22 {
      %broadcast_in_dim3A_29 = arith.constant 0.000000e+00 : f32
      %broadcast_in_dim3A_30 = vector.broadcast %broadcast_in_dim3A_29 : f32 to vector<16x64xf32>
      %swap3A_31 = arith.constant 0 : index
      %swap3A_32 = arith.constant 0 : index
      %swap3A_33 = vector.load %arg5[%swap3A_31, %swap3A_32] : memref<16x64xf32, #tpu.memory_space<vmem>>, vector<16x64xf32>
      tpu.vector_store %arg5[%swap3A_31, %swap3A_32], %broadcast_in_dim3A_30 {strides = array<i32>} : memref<16x64xf32, #tpu.memory_space<vmem>>, vector<16x64xf32>,
    } else {
    }
    %get3A_23 = arith.constant 0 : index
    %get3A_24 = arith.constant 0 : index
    %get3A_25 = vector.load %arg5[%get3A_23, %get3A_24] : memref<16x64xf32, #tpu.memory_space<vmem>>, vector<16x64xf32>
    %add3A_26 = arith.addf %get3A_25, %concatenate3A : vector<16x64xf32>
    %swap3A = arith.constant 0 : index
    %swap3A_27 = arith.constant 0 : index
    %swap3A_28 = vector.load %arg5[%swap3A, %swap3A_27] : memref<16x64xf32, #tpu.memory_space<vmem>>, vector<16x64xf32>
    tpu.vector_store %arg5[%swap3A, %swap3A_27], %add3A_26 {strides = array<i32>} : memref<16x64xf32, #tpu.memory_space<vmem>>, vector<16x64xf32>,
    return
  }
  func.func @transform_0(%arg0: i32) -> (i32, i32) {
    %c0_i32 = arith.constant 0 : i32
    %c0_i32_0 = arith.constant 0 : i32
    return %arg0, %c0_i32 : i32, i32
  }
  func.func @transform_1(%arg0: i32) -> (i32, i32) {
    %c0_i32 = arith.constant 0 : i32
    %c0_i32_0 = arith.constant 0 : i32
    return %arg0, %c0_i32 : i32, i32
  }
  func.func @transform_2(%arg0: i32) -> (i32, i32) {
    %c0_i32 = arith.constant 0 : i32
    %c0_i32_0 = arith.constant 0 : i32
    %c0_i32_1 = arith.constant 0 : i32
    return %c0_i32, %c0_i32_0 : i32, i32
  }
  func.func @transform_3(%arg0: i32) -> (i32, i32) {
    %c0_i32 = arith.constant 0 : i32
    %c0_i32_0 = arith.constant 0 : i32
    %c0_i32_1 = arith.constant 0 : i32
    return %c0_i32, %c0_i32_0 : i32, i32
  }
  func.func @transform_4(%arg0: i32) -> (i32, i32) {
    %c0_i32 = arith.constant 0 : i32
    %c0_i32_0 = arith.constant 0 : i32
    %c0_i32_1 = arith.constant 0 : i32
    return %c0_i32, %c0_i32_0 : i32, i32
  }
}

module attributes {stable_mosaic.version = 14 : i64} {
  func.func @_stats2_body(%arg0: i32, %arg1: memref<256x8xf32, #tpu.memory_space<vmem>>, %arg2: memref<4096x16xf32, #tpu.memory_space<vmem>>, %arg3: memref<8x64xf32, #tpu.memory_space<vmem>>, %arg4: memref<16x64xf32, #tpu.memory_space<vmem>>, %arg5: memref<8x64xf32, #tpu.memory_space<vmem>>, %arg6: memref<64x128xf32, #tpu.memory_space<vmem>>, %arg7: memref<16x128xf32, #tpu.memory_space<vmem>>) attributes {dimension_semantics = [#tpu.dimension_semantics<arbitrary>], iteration_bounds = array<i64: 64>, scalar_prefetch = 0 : i64, scratch_operands = 0 : i64, tpu.core_type = #tpu.core_type<tc>, window_params = [{transform_indices = @transform_0, window_bounds = array<i64: 256, 8>}, {transform_indices = @transform_1, window_bounds = array<i64: 4096, 16>}, {pipeline_mode = #tpu.pipeline_mode<synchronous>, transform_indices = @transform_2, window_bounds = array<i64: 8, 64>}, {pipeline_mode = #tpu.pipeline_mode<synchronous>, transform_indices = @transform_3, window_bounds = array<i64: 16, 64>}, {pipeline_mode = #tpu.pipeline_mode<synchronous>, transform_indices = @transform_4, window_bounds = array<i64: 8, 64>}, {pipeline_mode = #tpu.pipeline_mode<synchronous>, transform_indices = @transform_5, window_bounds = array<i64: 64, 128>}, {pipeline_mode = #tpu.pipeline_mode<synchronous>, transform_indices = @transform_6, window_bounds = array<i64: 16, 128>}]} {
    %get3A = arith.constant 0 : index
    %get3A_0 = arith.constant 0 : index
    %get3A_1 = vector.load %arg1[%get3A, %get3A_0] : memref<256x8xf32, #tpu.memory_space<vmem>>, vector<256x8xf32>
    %get3A_2 = arith.constant 0 : index
    %get3A_3 = arith.constant 0 : index
    %get3A_4 = vector.load %arg3[%get3A_2, %get3A_3] : memref<8x64xf32, #tpu.memory_space<vmem>>, vector<8x64xf32>
    %dot_general3A = arith.constant dense<0.000000e+00> : vector<256x64xf32>
    %dot_general3A_5 = tpu.matmul %get3A_1, %get3A_4, %dot_general3A {dimension_numbers = #tpu.dot_dimension_numbers<[1], [0], [0], [1], [0, 0, 1, 1], [], []>, transpose_lhs_hint = false} : vector<256x8xf32>, vector<8x64xf32>, vector<256x64xf32> -> vector<256x64xf32>
    %get3A_6 = arith.constant 0 : index
    %get3A_7 = arith.constant 0 : index
    %get3A_8 = vector.load %arg2[%get3A_6, %get3A_7] : memref<4096x16xf32, #tpu.memory_space<vmem>>, vector<4096x16xf32>
    %get3A_9 = arith.constant 0 : index
    %get3A_10 = arith.constant 0 : index
    %get3A_11 = vector.load %arg4[%get3A_9, %get3A_10] : memref<16x64xf32, #tpu.memory_space<vmem>>, vector<16x64xf32>
    %dot_general3A_12 = arith.constant dense<0.000000e+00> : vector<4096x64xf32>
    %dot_general3A_13 = tpu.matmul %get3A_8, %get3A_11, %dot_general3A_12 {dimension_numbers = #tpu.dot_dimension_numbers<[1], [0], [0], [1], [0, 0, 1, 1], [], []>, transpose_lhs_hint = false} : vector<4096x16xf32>, vector<16x64xf32>, vector<4096x64xf32> -> vector<4096x64xf32>
    %reshape3A = vector.shape_cast %dot_general3A_13 : vector<4096x64xf32> to vector<256x16x64xf32>
    %broadcast_in_dim3A = vector.shape_cast %dot_general3A_5 : vector<256x64xf32> to vector<256x1x64xf32>
    %add3A = vector.broadcast %broadcast_in_dim3A : vector<256x1x64xf32> to vector<256x16x64xf32>
    %add3A_14 = arith.addf %reshape3A, %add3A : vector<256x16x64xf32>
    %reshape3A_15 = vector.shape_cast %add3A_14 : vector<256x16x64xf32> to vector<4096x64xf32>
    %get3A_16 = arith.constant 0 : index
    %get3A_17 = arith.constant 0 : index
    %get3A_18 = vector.load %arg5[%get3A_16, %get3A_17] : memref<8x64xf32, #tpu.memory_space<vmem>>, vector<1x64xf32>
    %mul3A = vector.broadcast %get3A_18 : vector<1x64xf32> to vector<4096x64xf32>
    %mul3A_19 = arith.mulf %reshape3A_15, %mul3A : vector<4096x64xf32>
    %get3A_20 = arith.constant 1 : index
    %get3A_21 = arith.constant 0 : index
    %get3A_22 = vector.load %arg5[%get3A_20, %get3A_21] : memref<8x64xf32, #tpu.memory_space<vmem>>, vector<1x64xf32>
    %add3A_23 = vector.broadcast %get3A_22 : vector<1x64xf32> to vector<4096x64xf32>
    %add3A_24 = arith.addf %mul3A_19, %add3A_23 : vector<4096x64xf32>
    %mul3A_25 = arith.constant 5.000000e-01 : f32
    %mul3A_26 = vector.broadcast %mul3A_25 : f32 to vector<4096x64xf32>
    %mul3A_27 = arith.mulf %add3A_24, %mul3A_26 : vector<4096x64xf32>
    %mul3A_28 = arith.constant 0.707106769 : f32
    %mul3A_29 = vector.broadcast %mul3A_28 : f32 to vector<4096x64xf32>
    %mul3A_30 = arith.mulf %add3A_24, %mul3A_29 : vector<4096x64xf32>
    %erf3A = math.erf %mul3A_30 : vector<4096x64xf32>
    %add3A_31 = arith.constant 1.000000e+00 : f32
    %add3A_32 = vector.broadcast %add3A_31 : f32 to vector<4096x64xf32>
    %add3A_33 = arith.addf %add3A_32, %erf3A : vector<4096x64xf32>
    %mul3A_34 = arith.mulf %mul3A_27, %add3A_33 : vector<4096x64xf32>
    %get3A_35 = arith.constant 0 : index
    %get3A_36 = arith.constant 0 : index
    %get3A_37 = vector.load %arg6[%get3A_35, %get3A_36] : memref<64x128xf32, #tpu.memory_space<vmem>>, vector<64x128xf32>
    %dot_general3A_38 = arith.constant dense<0.000000e+00> : vector<4096x128xf32>
    %dot_general3A_39 = tpu.matmul %mul3A_34, %get3A_37, %dot_general3A_38 {dimension_numbers = #tpu.dot_dimension_numbers<[1], [0], [0], [1], [0, 0, 1, 1], [], []>, transpose_lhs_hint = false} : vector<4096x64xf32>, vector<64x128xf32>, vector<4096x128xf32> -> vector<4096x128xf32>
    %reshape3A_40 = vector.shape_cast %dot_general3A_39 : vector<4096x128xf32> to vector<512x8x128xf32>
    %reduce_sum3A = arith.constant dense<0.000000e+00> : vector<8x128xf32>
    %reduce_sum3A_41 = vector.multi_reduction <add>, %reshape3A_40, %reduce_sum3A [0] : vector<512x8x128xf32> to vector<8x128xf32>
    %mul3A_42 = arith.mulf %dot_general3A_39, %dot_general3A_39 : vector<4096x128xf32>
    %reshape3A_43 = vector.shape_cast %mul3A_42 : vector<4096x128xf32> to vector<512x8x128xf32>
    %reduce_sum3A_44 = arith.constant dense<0.000000e+00> : vector<8x128xf32>
    %reduce_sum3A_45 = vector.multi_reduction <add>, %reshape3A_43, %reduce_sum3A_44 [0] : vector<512x8x128xf32> to vector<8x128xf32>
    %concatenate3A = tpu.concatenate %reduce_sum3A_41, %reduce_sum3A_45 in 0 : vector<8x128xf32>, vector<8x128xf32> -> vector<16x128xf32>
    %eq3A = arith.constant 0 : i32
    %eq3A_46 = arith.cmpi eq, %arg0, %eq3A : i32
    %convert_element_type3A = arith.extui %eq3A_46 : i1 to i32
    %cond3A = arith.constant 0 : i32
    %cond3A_47 = arith.cmpi ne, %convert_element_type3A, %cond3A : i32
    scf.if %cond3A_47 {
      %broadcast_in_dim3A_54 = arith.constant 0.000000e+00 : f32
      %broadcast_in_dim3A_55 = vector.broadcast %broadcast_in_dim3A_54 : f32 to vector<16x128xf32>
      %swap3A_56 = arith.constant 0 : index
      %swap3A_57 = arith.constant 0 : index
      %swap3A_58 = vector.load %arg7[%swap3A_56, %swap3A_57] : memref<16x128xf32, #tpu.memory_space<vmem>>, vector<16x128xf32>
      tpu.vector_store %arg7[%swap3A_56, %swap3A_57], %broadcast_in_dim3A_55 {strides = array<i32>} : memref<16x128xf32, #tpu.memory_space<vmem>>, vector<16x128xf32>,
    } else {
    }
    %get3A_48 = arith.constant 0 : index
    %get3A_49 = arith.constant 0 : index
    %get3A_50 = vector.load %arg7[%get3A_48, %get3A_49] : memref<16x128xf32, #tpu.memory_space<vmem>>, vector<16x128xf32>
    %add3A_51 = arith.addf %get3A_50, %concatenate3A : vector<16x128xf32>
    %swap3A = arith.constant 0 : index
    %swap3A_52 = arith.constant 0 : index
    %swap3A_53 = vector.load %arg7[%swap3A, %swap3A_52] : memref<16x128xf32, #tpu.memory_space<vmem>>, vector<16x128xf32>
    tpu.vector_store %arg7[%swap3A, %swap3A_52], %add3A_51 {strides = array<i32>} : memref<16x128xf32, #tpu.memory_space<vmem>>, vector<16x128xf32>,
    return
  }
  func.func @transform_0(%arg0: i32) -> (i32, i32) {
    %c0_i32 = arith.constant 0 : i32
    %c0_i32_0 = arith.constant 0 : i32
    return %arg0, %c0_i32 : i32, i32
  }
  func.func @transform_1(%arg0: i32) -> (i32, i32) {
    %c0_i32 = arith.constant 0 : i32
    %c0_i32_0 = arith.constant 0 : i32
    return %arg0, %c0_i32 : i32, i32
  }
  func.func @transform_2(%arg0: i32) -> (i32, i32) {
    %c0_i32 = arith.constant 0 : i32
    %c0_i32_0 = arith.constant 0 : i32
    %c0_i32_1 = arith.constant 0 : i32
    return %c0_i32, %c0_i32_0 : i32, i32
  }
  func.func @transform_3(%arg0: i32) -> (i32, i32) {
    %c0_i32 = arith.constant 0 : i32
    %c0_i32_0 = arith.constant 0 : i32
    %c0_i32_1 = arith.constant 0 : i32
    return %c0_i32, %c0_i32_0 : i32, i32
  }
  func.func @transform_4(%arg0: i32) -> (i32, i32) {
    %c0_i32 = arith.constant 0 : i32
    %c0_i32_0 = arith.constant 0 : i32
    %c0_i32_1 = arith.constant 0 : i32
    return %c0_i32, %c0_i32_0 : i32, i32
  }
  func.func @transform_5(%arg0: i32) -> (i32, i32) {
    %c0_i32 = arith.constant 0 : i32
    %c0_i32_0 = arith.constant 0 : i32
    %c0_i32_1 = arith.constant 0 : i32
    return %c0_i32, %c0_i32_0 : i32, i32
  }
  func.func @transform_6(%arg0: i32) -> (i32, i32) {
    %c0_i32 = arith.constant 0 : i32
    %c0_i32_0 = arith.constant 0 : i32
    %c0_i32_1 = arith.constant 0 : i32
    return %c0_i32, %c0_i32_0 : i32, i32
  }
}

module attributes {stable_mosaic.version = 14 : i64} {
  func.func @_final_body(%arg0: i32, %arg1: memref<256x8xf32, #tpu.memory_space<vmem>>, %arg2: memref<4096x16xf32, #tpu.memory_space<vmem>>, %arg3: memref<8x64xf32, #tpu.memory_space<vmem>>, %arg4: memref<16x64xf32, #tpu.memory_space<vmem>>, %arg5: memref<8x64xf32, #tpu.memory_space<vmem>>, %arg6: memref<64x128xf32, #tpu.memory_space<vmem>>, %arg7: memref<8x128xf32, #tpu.memory_space<vmem>>, %arg8: memref<256x128xf32, #tpu.memory_space<vmem>>) attributes {dimension_semantics = [#tpu.dimension_semantics<arbitrary>], iteration_bounds = array<i64: 64>, scalar_prefetch = 0 : i64, scratch_operands = 0 : i64, tpu.core_type = #tpu.core_type<tc>, window_params = [{transform_indices = @transform_0, window_bounds = array<i64: 256, 8>}, {transform_indices = @transform_1, window_bounds = array<i64: 4096, 16>}, {pipeline_mode = #tpu.pipeline_mode<synchronous>, transform_indices = @transform_2, window_bounds = array<i64: 8, 64>}, {pipeline_mode = #tpu.pipeline_mode<synchronous>, transform_indices = @transform_3, window_bounds = array<i64: 16, 64>}, {pipeline_mode = #tpu.pipeline_mode<synchronous>, transform_indices = @transform_4, window_bounds = array<i64: 8, 64>}, {pipeline_mode = #tpu.pipeline_mode<synchronous>, transform_indices = @transform_5, window_bounds = array<i64: 64, 128>}, {pipeline_mode = #tpu.pipeline_mode<synchronous>, transform_indices = @transform_6, window_bounds = array<i64: 8, 128>}, {transform_indices = @transform_7, window_bounds = array<i64: 256, 128>}]} {
    %get3A = arith.constant 0 : index
    %get3A_0 = arith.constant 0 : index
    %get3A_1 = vector.load %arg1[%get3A, %get3A_0] : memref<256x8xf32, #tpu.memory_space<vmem>>, vector<256x8xf32>
    %get3A_2 = arith.constant 0 : index
    %get3A_3 = arith.constant 0 : index
    %get3A_4 = vector.load %arg3[%get3A_2, %get3A_3] : memref<8x64xf32, #tpu.memory_space<vmem>>, vector<8x64xf32>
    %dot_general3A = arith.constant dense<0.000000e+00> : vector<256x64xf32>
    %dot_general3A_5 = tpu.matmul %get3A_1, %get3A_4, %dot_general3A {dimension_numbers = #tpu.dot_dimension_numbers<[1], [0], [0], [1], [0, 0, 1, 1], [], []>, transpose_lhs_hint = false} : vector<256x8xf32>, vector<8x64xf32>, vector<256x64xf32> -> vector<256x64xf32>
    %get3A_6 = arith.constant 0 : index
    %get3A_7 = arith.constant 0 : index
    %get3A_8 = vector.load %arg2[%get3A_6, %get3A_7] : memref<4096x16xf32, #tpu.memory_space<vmem>>, vector<4096x16xf32>
    %get3A_9 = arith.constant 0 : index
    %get3A_10 = arith.constant 0 : index
    %get3A_11 = vector.load %arg4[%get3A_9, %get3A_10] : memref<16x64xf32, #tpu.memory_space<vmem>>, vector<16x64xf32>
    %dot_general3A_12 = arith.constant dense<0.000000e+00> : vector<4096x64xf32>
    %dot_general3A_13 = tpu.matmul %get3A_8, %get3A_11, %dot_general3A_12 {dimension_numbers = #tpu.dot_dimension_numbers<[1], [0], [0], [1], [0, 0, 1, 1], [], []>, transpose_lhs_hint = false} : vector<4096x16xf32>, vector<16x64xf32>, vector<4096x64xf32> -> vector<4096x64xf32>
    %reshape3A = vector.shape_cast %dot_general3A_13 : vector<4096x64xf32> to vector<256x16x64xf32>
    %broadcast_in_dim3A = vector.shape_cast %dot_general3A_5 : vector<256x64xf32> to vector<256x1x64xf32>
    %add3A = vector.broadcast %broadcast_in_dim3A : vector<256x1x64xf32> to vector<256x16x64xf32>
    %add3A_14 = arith.addf %reshape3A, %add3A : vector<256x16x64xf32>
    %reshape3A_15 = vector.shape_cast %add3A_14 : vector<256x16x64xf32> to vector<4096x64xf32>
    %get3A_16 = arith.constant 0 : index
    %get3A_17 = arith.constant 0 : index
    %get3A_18 = vector.load %arg5[%get3A_16, %get3A_17] : memref<8x64xf32, #tpu.memory_space<vmem>>, vector<1x64xf32>
    %mul3A = vector.broadcast %get3A_18 : vector<1x64xf32> to vector<4096x64xf32>
    %mul3A_19 = arith.mulf %reshape3A_15, %mul3A : vector<4096x64xf32>
    %get3A_20 = arith.constant 1 : index
    %get3A_21 = arith.constant 0 : index
    %get3A_22 = vector.load %arg5[%get3A_20, %get3A_21] : memref<8x64xf32, #tpu.memory_space<vmem>>, vector<1x64xf32>
    %add3A_23 = vector.broadcast %get3A_22 : vector<1x64xf32> to vector<4096x64xf32>
    %add3A_24 = arith.addf %mul3A_19, %add3A_23 : vector<4096x64xf32>
    %mul3A_25 = arith.constant 5.000000e-01 : f32
    %mul3A_26 = vector.broadcast %mul3A_25 : f32 to vector<4096x64xf32>
    %mul3A_27 = arith.mulf %add3A_24, %mul3A_26 : vector<4096x64xf32>
    %mul3A_28 = arith.constant 0.707106769 : f32
    %mul3A_29 = vector.broadcast %mul3A_28 : f32 to vector<4096x64xf32>
    %mul3A_30 = arith.mulf %add3A_24, %mul3A_29 : vector<4096x64xf32>
    %erf3A = math.erf %mul3A_30 : vector<4096x64xf32>
    %add3A_31 = arith.constant 1.000000e+00 : f32
    %add3A_32 = vector.broadcast %add3A_31 : f32 to vector<4096x64xf32>
    %add3A_33 = arith.addf %add3A_32, %erf3A : vector<4096x64xf32>
    %mul3A_34 = arith.mulf %mul3A_27, %add3A_33 : vector<4096x64xf32>
    %get3A_35 = arith.constant 0 : index
    %get3A_36 = arith.constant 0 : index
    %get3A_37 = vector.load %arg6[%get3A_35, %get3A_36] : memref<64x128xf32, #tpu.memory_space<vmem>>, vector<64x128xf32>
    %dot_general3A_38 = arith.constant dense<0.000000e+00> : vector<4096x128xf32>
    %dot_general3A_39 = tpu.matmul %mul3A_34, %get3A_37, %dot_general3A_38 {dimension_numbers = #tpu.dot_dimension_numbers<[1], [0], [0], [1], [0, 0, 1, 1], [], []>, transpose_lhs_hint = false} : vector<4096x64xf32>, vector<64x128xf32>, vector<4096x128xf32> -> vector<4096x128xf32>
    %get3A_40 = arith.constant 0 : index
    %get3A_41 = arith.constant 0 : index
    %get3A_42 = vector.load %arg7[%get3A_40, %get3A_41] : memref<8x128xf32, #tpu.memory_space<vmem>>, vector<1x128xf32>
    %mul3A_43 = vector.broadcast %get3A_42 : vector<1x128xf32> to vector<4096x128xf32>
    %mul3A_44 = arith.mulf %dot_general3A_39, %mul3A_43 : vector<4096x128xf32>
    %get3A_45 = arith.constant 1 : index
    %get3A_46 = arith.constant 0 : index
    %get3A_47 = vector.load %arg7[%get3A_45, %get3A_46] : memref<8x128xf32, #tpu.memory_space<vmem>>, vector<1x128xf32>
    %add3A_48 = vector.broadcast %get3A_47 : vector<1x128xf32> to vector<4096x128xf32>
    %add3A_49 = arith.addf %mul3A_44, %add3A_48 : vector<4096x128xf32>
    %mul3A_50 = arith.constant 5.000000e-01 : f32
    %mul3A_51 = vector.broadcast %mul3A_50 : f32 to vector<4096x128xf32>
    %mul3A_52 = arith.mulf %add3A_49, %mul3A_51 : vector<4096x128xf32>
    %mul3A_53 = arith.constant 0.707106769 : f32
    %mul3A_54 = vector.broadcast %mul3A_53 : f32 to vector<4096x128xf32>
    %mul3A_55 = arith.mulf %add3A_49, %mul3A_54 : vector<4096x128xf32>
    %erf3A_56 = math.erf %mul3A_55 : vector<4096x128xf32>
    %add3A_57 = arith.constant 1.000000e+00 : f32
    %add3A_58 = vector.broadcast %add3A_57 : f32 to vector<4096x128xf32>
    %add3A_59 = arith.addf %add3A_58, %erf3A_56 : vector<4096x128xf32>
    %mul3A_60 = arith.mulf %mul3A_52, %add3A_59 : vector<4096x128xf32>
    %reshape3A_61 = vector.shape_cast %mul3A_60 : vector<4096x128xf32> to vector<256x16x128xf32>
    %reduce_max3A = arith.constant dense<0xFF800000> : vector<256x128xf32>
    %reduce_max3A_62 = vector.multi_reduction <maximumf>, %reshape3A_61, %reduce_max3A [1] : vector<256x16x128xf32> to vector<256x128xf32>
    %swap3A = arith.constant 0 : index
    %swap3A_63 = arith.constant 0 : index
    %swap3A_64 = vector.load %arg8[%swap3A, %swap3A_63] : memref<256x128xf32, #tpu.memory_space<vmem>>, vector<256x128xf32>
    tpu.vector_store %arg8[%swap3A, %swap3A_63], %reduce_max3A_62 {strides = array<i32>} : memref<256x128xf32, #tpu.memory_space<vmem>>, vector<256x128xf32>,
    return
  }
  func.func @transform_0(%arg0: i32) -> (i32, i32) {
    %c0_i32 = arith.constant 0 : i32
    %c0_i32_0 = arith.constant 0 : i32
    return %arg0, %c0_i32 : i32, i32
  }
  func.func @transform_1(%arg0: i32) -> (i32, i32) {
    %c0_i32 = arith.constant 0 : i32
    %c0_i32_0 = arith.constant 0 : i32
    return %arg0, %c0_i32 : i32, i32
  }
  func.func @transform_2(%arg0: i32) -> (i32, i32) {
    %c0_i32 = arith.constant 0 : i32
    %c0_i32_0 = arith.constant 0 : i32
    %c0_i32_1 = arith.constant 0 : i32
    return %c0_i32, %c0_i32_0 : i32, i32
  }
  func.func @transform_3(%arg0: i32) -> (i32, i32) {
    %c0_i32 = arith.constant 0 : i32
    %c0_i32_0 = arith.constant 0 : i32
    %c0_i32_1 = arith.constant 0 : i32
    return %c0_i32, %c0_i32_0 : i32, i32
  }
  func.func @transform_4(%arg0: i32) -> (i32, i32) {
    %c0_i32 = arith.constant 0 : i32
    %c0_i32_0 = arith.constant 0 : i32
    %c0_i32_1 = arith.constant 0 : i32
    return %c0_i32, %c0_i32_0 : i32, i32
  }
  func.func @transform_5(%arg0: i32) -> (i32, i32) {
    %c0_i32 = arith.constant 0 : i32
    %c0_i32_0 = arith.constant 0 : i32
    %c0_i32_1 = arith.constant 0 : i32
    return %c0_i32, %c0_i32_0 : i32, i32
  }
  func.func @transform_6(%arg0: i32) -> (i32, i32) {
    %c0_i32 = arith.constant 0 : i32
    %c0_i32_0 = arith.constant 0 : i32
    %c0_i32_1 = arith.constant 0 : i32
    return %c0_i32, %c0_i32_0 : i32, i32
  }
  func.func @transform_7(%arg0: i32) -> (i32, i32) {
    %c0_i32 = arith.constant 0 : i32
    %c0_i32_0 = arith.constant 0 : i32
    return %arg0, %c0_i32 : i32, i32
  }
}

</mosaic_0001>

<sc_bundles>
// kernel: kernel.7.cloned.1.call-start
scs
__scs_entry_jumppad:
0x0: {  	(pc) =	sbr.rel $0x88, $3  }
0x1: {  	(tag) =	ssettag $0x0;
	lr =	simm.s32 $0x1  }
0x2: {  	[smem:$0x3F9A] =	sst lr;
	_ =	strace $0xD0000000  }
0x3: {  	_ = 	snop  }
0x4: {  	_ = 	snop  }
0x5: {  	_ = 	snop  }
0x6: {  	_ = 	snop  }
0x7: {  	_ = 	snop  }
__scs_overlays_trampoline_lowered:
0x8: {  	[smem:$0x3FA9] =	sst s0  }
0x9: {  	[smem:$0x3FAA] =	sst s1  }
0xa: {  	[smem:$0x3FAB] =	sst s2  }
0xb: {  	[smem:$0x3FAC] =	sst s3  }
0xc: {  	[smem:$0x3FAD] =	sst s4  }
0xd: {  	[smem:$0x3FAE] =	sst s5  }
0xe: {  	[smem:$0x3FAF] =	sst s6  }
0xf: {  	[smem:$0x3FB0] =	sst s7  }
0x10: {  	[smem:$0x3FB1] =	sst s8  }
0x11: {  	[smem:$0x3FB2] =	sst s9;
	s0 =	simm.s32 @!p0 $0x0  }
0x12: {  	s1 =	sld [smem:$0x3F98];
	s0 =	simm.s32 @p0 $0x1  }
0x13: {  	[smem:$0x3FB3] =	sst s0;
	s0 =	simm.s32 @!p1 $0x0  }
0x14: {  	s2 =	sld [smem:$0x3F97];
	s0 =	simm.s32 @p1 $0x1  }
0x15: {  	[smem:$0x3FB4] =	sst s0;
	s0 =	simm.s32 @!p2 $0x0  }
0x16: {  	s3 =	sld [smem:$0x3FDB];
	s0 =	simm.s32 @p2 $0x1  }
0x17: {  	s4 =	simm.s32 $0x1BF5;
	[smem:$0x3FB6] =	sst s0  }
0x18: {  	s0 =	sld [smem:$0x3F99];
	_ =	swait.ge [sflag:s4], $0x0  }
0x19: {  	s7 =	sld [smem:$0x3F9A]  }
0x1a: {  	s8 =	sadd.s32 $0xFFFFE003, lr  }
0x1b: {  	s9 =	sadd.s32 $0xFFFFFEF7, lr;
	s5 =	simm.s32 $0xFFFFFFFF;
	p2 =	slt.u32 s8, $0xFFFFF086  }
0x1c: {  	p1 =	slt.u32 s9, $0xF7A;
	s5 =	simm.s32 @!p2 $0x0  }
0x1d: {  	s5 =	simm.s32 @p1 $0x1;
	p0 =	seq.s32 s7, s2  }
0x1e: {  	s7 =	smul.u32 @!p0 $0xF7A, s2;
	p2 =	seq.s32 @!p0 s5, $0x0  }
0x1f: {  	s9 =	smul.u32 $0xF7A, s1;
	s8 =	simm.s32 @!p0 $0x1BF5;
	p2 =	por !p2, p0  }
0x20: {  	[sflag:s8] =	ssyncset.s32 @!p0 $0xFFFFF086;
	s6 =	sadd.s32 @!p0 s3, s7;
	s7 =	simm.s32 @!p0 $0x108  }
0x21: {  	s3 =	sadd.s32 s3, s9;
	s6 =	sadd.s32 @!p0 $0x88, s6;
	s7 =	simm.s32 @p2 $0x1082  }
0x22: {  	[simem:s7], [sflag:s8] =	dma.local @!p0 [hbm:s6], $0xF7A  }
0x23: {  	s9 =	sor.u32 $0xD0000000, s2;
	s6 =	simm.s32 $0x108;
	_ =	swait.ge @!p0 [sflag:s8], $0x0  }
0x24: {  	s3 =	sadd.s32 $0x88, s3;
	s6 =	simm.s32 @!p1 $0x1082;
	[sflag:s4] =	ssyncset.s32 $0xFFFFF086  }
0x25: {  	[simem:s6], [sflag:s4] =	dma.local [hbm:s3], $0xF7A  }
0x26: {  	[smem:$0x3F9A] =	sst s1;
	(tag) =	ssettag s2;
	_ =	strace s9  }
0x27: {  	s1 =	sld [smem:$0x3FAA]  }
0x28: {  	s2 =	sld [smem:$0x3FAB]  }
0x29: {  	s4 =	sld [smem:$0x3FAD]  }
0x2a: {  	p0 =	seq.s32 s5, $0x0;
	s5 =	sld [smem:$0x3FAE]  }
0x2b: {  	s6 =	sld [smem:$0x3FAF]  }
0x2c: {  	s7 =	sld [smem:$0x3FB0]  }
0x2d: {  	s3 =	simm.s32 $0x108;
	s8 =	sld [smem:$0x3FB1]  }
0x2e: {  	s3 =	simm.s32 @!p0 $0x1082;
	s9 =	sld [smem:$0x3FB2]  }
0x2f: {  	lr =	sadd.s32 s0, s3;
	s0 =	sld [smem:$0x3FA9]  }
0x30: {  	s3 =	sld [smem:$0x3FAC]  }
0x31: {  	[smem:$0x3FB5] =	sst s10  }
0x32: {  	s10 =	sld [smem:$0x3FB3];
	_ =	sdelay $0x3  }
0x33: {  	p0 =	seq.s32 s10, $0x1;
	s10 =	sld [smem:$0x3FB5];
	_ =	sdelay $0x3  }
0x34: {  	[smem:$0x3FB5] =	sst s10  }
0x35: {  	s10 =	sld [smem:$0x3FB4];
	_ =	sdelay $0x3  }
0x36: {  	p1 =	seq.s32 s10, $0x1;
	s10 =	sld [smem:$0x3FB5];
	_ =	sdelay $0x3  }
0x37: {  	[smem:$0x3FB5] =	sst s10  }
0x38: {  	s10 =	sld [smem:$0x3FB6]  }
0x39: {  	_ = 	snop;
	(pc) =	sbr.ind lr, $3  }
0x3a: {  	_ = 	snop  }
0x3b: {  	_ = 	snop  }
0x3c: {  	p2 =	seq.s32 s10, $0x1;
	s10 =	sld [smem:$0x3FB5]  }
0x3d: {  	_ =	shalt  }
0x3e: {  	_ =	shalt  }
0x3f: {  	_ =	shalt  }
0x40: {  	_ =	shalt  }
0x41: {  	_ =	shalt  }
0x42: {  	_ =	shalt  }
0x43: {  	_ =	shalt  }
0x44: {  	_ =	shalt  }
0x45: {  	_ =	shalt  }
0x46: {  	_ =	shalt  }
0x47: {  	_ =	shalt  }
0x48: {  	_ =	shalt  }
0x49: {  	_ =	shalt  }
0x4a: {  	_ =	shalt  }
0x4b: {  	_ =	shalt  }
0x4c: {  	_ =	shalt  }
0x4d: {  	_ =	shalt  }
0x4e: {  	_ =	shalt  }
0x4f: {  	_ =	shalt  }
0x50: {  	_ =	shalt  }
0x51: {  	_ =	shalt  }
0x52: {  	_ =	shalt  }
0x53: {  	_ =	shalt  }
0x54: {  	_ =	shalt  }
0x55: {  	_ =	shalt  }
0x56: {  	_ =	shalt  }
0x57: {  	_ =	shalt  }
0x58: {  	_ =	shalt  }
0x59: {  	_ =	shalt  }
0x5a: {  	_ =	shalt  }
0x5b: {  	_ =	shalt  }
0x5c: {  	_ =	shalt  }
0x5d: {  	_ =	shalt  }
0x5e: {  	_ =	shalt  }
0x5f: {  	_ =	shalt  }
0x60: {  	_ =	shalt  }
0x61: {  	_ =	shalt  }
0x62: {  	_ =	shalt  }
0x63: {  	_ =	shalt  }
0x64: {  	_ =	shalt  }
0x65: {  	_ =	shalt  }
0x66: {  	_ =	shalt  }
0x67: {  	_ =	shalt  }
0x68: {  	_ =	shalt  }
0x69: {  	_ =	shalt  }
0x6a: {  	_ =	shalt  }
0x6b: {  	_ =	shalt  }
0x6c: {  	_ =	shalt  }
0x6d: {  	_ =	shalt  }
0x6e: {  	_ =	shalt  }
0x6f: {  	_ =	shalt  }
0x70: {  	_ =	shalt  }
0x71: {  	_ =	shalt  }
0x72: {  	_ =	shalt  }
0x73: {  	_ =	shalt  }
0x74: {  	_ =	shalt  }
0x75: {  	_ =	shalt  }
0x76: {  	_ =	shalt  }
0x77: {  	_ =	shalt  }
0x78: {  	_ =	shalt  }
0x79: {  	_ =	shalt  }
0x7a: {  	_ =	shalt  }
0x7b: {  	_ =	shalt  }
0x7c: {  	_ =	shalt  }
0x7d: {  	_ =	shalt  }
0x7e: {  	_ =	shalt  }
0x7f: {  	_ =	shalt  }
0x80: {  	_ =	shalt  }
0x81: {  	_ =	shalt  }
0x82: {  	_ =	shalt  }
0x83: {  	_ =	shalt  }
0x84: {  	_ =	shalt  }
0x85: {  	_ =	shalt  }
0x86: {  	_ =	shalt  }
0x87: {  	_ =	shalt  }
.Lfunc_end0:
.L_simem_size_0:
called_computation_lowered:
.L_overlay_start_0:
0x88: {  	s2 =	sld [smem:$0x3FD9]  }
0x89: {  	s3 =	sld [smem:$0x3FFE];
	_ =	sdelay $0x1  }
0x8a: {  	s1 =	srdreg.scid  }
0x8b: {  	s0 =	sand.u32 $0x1, s1  }
0x8c: {  	s17 =	sshll.u32 s0, $0xA;
	s2 =	sadd.s32 s3, s2  }
0x8d: {  	s2 =	sadd.s32 s2, s17  }
0x8e: {  	[smem:$0x3FC1] =	sst s2  }
0x8f: {  	_ = 	snop  }
0x90: {  	s2 =	sld [smem:$0x3FD0];
	(tm) =	ssettm $0x1  }
0x91: {  	s18 =	sld [smem:$0x3FFB];
	_ =	sdelay $0x3  }
0x92: {  	_ =	strace s18  }
0x93: {  	s3 =	sld [smem:$0x3FFC];
	_ =	sdelay $0x3  }
0x94: {  	_ =	strace s3  }
0x95: {  	s3 =	sld [smem:$0x3FFD];
	_ =	sdelay $0x3  }
0x96: {  	_ =	strace s3  }
0x97: {  	_ =	strace $0x8FFFFFFF  }
0x98: {  	s19 =	sld [smem:$0x3FDB];
	_ =	sdelay $0x1  }
0x99: {  	s4 =	simm.s32 $_scs_section_size  }
0x9a: {  	s5 =	simm.s32 $_size__tile_overlayer_lowered;
	s6 =	simm.s32 $_tile_overlayer_lowered  }
0x9b: {  	s22 =	simm.s32 $0x1BFF;
	s21 =	sshll.u32 s6, $0x1;
	s3 =	sadd.s32 s4, s19  }
0x9c: {  	s7 =	simm.s32 $0x0;
	s20 =	sshll.u32 s5, $0x1;
	s5 =	sadd.s32 s21, s3  }
0x9d: {  	[timem:s7], [sflag:s22] =	dma.local [hbm:s5], s20  }
0x9e: {  	_ =	swait.ge [sflag:s22], s20  }
0x9f: {  	s4 =	ssub.s32 $0x0, s20;
	[sflag:s22] =	ssyncset.done $0x0  }
0xa0: {  	[sflag:s22] =	ssyncadd.s32 s4;
	_ =	sdelay $0x1  }
0xa1: {  	s23 =	simm.s32 $0x1B8B  }
0xa2: {  	_ =	swait.ge [sflag:s23], $0x1  }
0xa3: {  	[sflag:s23] =	ssyncset.done $0x0  }
0xa4: {  	s25 =	simm.s32 $0x1B8E;
	s24 =	sld [smem:$0x3FFE];
	[sflag:s23] =	ssyncadd.s32 $0xFFFFFFFF  }
0xa5: {  	s26 =	simm.s32 $execute0_lowered;
	[smem:$0x3FD2] =	sst s25  }
0xa6: {  	s5 =	sshll.u32 s26, $0x1;
	_ =	strace $0x80000046;
	[dreg:$0x1] =	wrdreg $0xFFFFFFFF  }
0xa7: {  	s28 =	simm.s32 $_size_execute0_lowered;
	s3 =	sadd.s32 s3, s5;
	[dreg:$0x0] =	wrdreg $0x0  }
0xa8: {  	s5 =	sshll.u32 s28, $0x1;
	[dreg:$0x2] =	wrdreg s3  }
0xa9: {  	[dreg:$0x3] =	wrdreg s5  }
0xaa: {  	[dreg:$0x4] =	wrdreg $0xC0  }
0xab: {  	_ =	task [dreg:s7], $0x5FFFF  }
0xac: {  	[dreg:$0x1] =	wrdreg $0xFFFFFFFF  }
0xad: {  	[dreg:$0x0] =	wrdreg $0x60  }
0xae: {  	[dreg:$0x2] =	wrdreg s2  }
0xaf: {  	[dreg:$0x3] =	wrdreg s24  }
0xb0: {  	[dreg:$0x4] =	wrdreg $0x9  }
0xb1: {  	_ =	task.clear_ibuf [dreg:s7], $0x5FFFF;
	_ =	strace $0x90000046  }
0xb2: {  	s29 =	simm.s32 $0x9;
	_ =	strace $0x80000048  }
0xb3: {  	_ =	swait.ge [sflag:s29], $0x1  }
0xb4: {  	[sflag:s29] =	ssyncadd.s32 $0xFFFFFFFF  }
0xb5: {  	_ =	strace $0x90000048  }
0xb6: {  	_ =	sfence  }
0xb7: {  	s30 =	sld [smem:$0x0];
	_ =	sdelay $0x2  }
0xb8: {  	s31 =	sshll.u32 s1, $0xD;
	s1 =	sshrl.u32 s1, $0x2  }
0xb9: {  	s3 =	sand.u32 $0x4000, s31;
	s1 =	sadd.s32 s1, s30  }
0xba: {  	s0 =	sor.u32 s3, s0;
	s1 =	sshll.u32 s1, $0x11  }
0xbb: {  	s0 =	sor.u32 s1, s0  }
0xbc: {  	s0 =	sadd.s32 $0x8F2B, s0  }
0xbd: {  	[sflag:s0] =	ssyncadd.remote.s32 $0x1  }
0xbe: {  	_ =	sfence.sel $0xFFFF  }
0xbf: {  	[dreg:$0x0] =	wrdreg $0xFFFFFFFF;
	(pc) =	sbr.abs _section_cstart, $3  }
0xc0: {  	[dreg:$0x1] =	wrdreg $0xFFFFFFFF  }
0xc1: {  	_ =	task.clear_ibuf [dreg:s7], $0x2FFFF;
	_ =	strace $0x9FFFFFFF  }
0xc2: {  	(tm) =	ssettm $0x7FFFFFFF  }
0xc3: {  	_ =	shalt  }
tec
execute0_lowered:
.L_overlay_start_1:
0x0: {  	(tag) =	ssettag $0x1  }
0x1: {  	s1 =	srdreg.scid  }
0x2: {  	s0 =	stileid.u32;
	s10 =	sand.u32 $0x1, s1  }
0x3: {  	s2 =	rddreg [dreg:$0x0];
	s30 =	sshll.u32 s0, $0xE;
	s3 =	sshll.u32 s10, $0xD  }
0x4: {  	s9 =	rddreg [dreg:$0x1];
	s11 =	sor.u32 s3, s30  }
0x5: {  	s1 =	rddreg [dreg:$0x2];
	s3 =	simm.s32 $0x0;
	s4 =	sshrl.u32 s11, $0x3  }
0x6: {  	[smem:$0x7FF] =	sst s3;
	s4 =	sadd.s32 s4, s9  }
0x7: {  	_ =	strace $0x80000047;
	s5 =	sadd.s32 $0x600, s4;
	s4 =	simm.s32 $0x2  }
0x8: {  	[tilespmem:s3], [sflag:$0x2] =	stream.linear.gather [hbm4b:s5+s3], $0x2000, $0x38;
	[tilespmem:$0x12000] =	vst v63  }
0x9: {  	_ =	swait.ge [sflag:s4], $0x2000  }
0xa: {  	s6 =	simm.s32 $0x1000;
	[sflag:s4] =	ssyncset.done $0x0  }
0xb: {  	s7 =	simm.s32 $0x2000;
	s8 =	simm.s32 $0x1;
	[sflag:s4] =	ssyncadd.s32 $0xFFFFE000  }
0xc: {  	[tilespmem:s7], [sflag:$0x1] =	stream.indirect.gather [hbm4b:s2+s6], $0x10, s3, s6, $0xb8;
	[tilespmem:$0x12000] =	vst v63  }
0xd: {  	s11 =	sshll.u32 s11, $0x1;
	_ =	swait.ge [sflag:s8], $0x10000  }
0xe: {  	s11 =	sadd.s32 s11, s9;
	[sflag:s8] =	ssyncset.done $0x0  }
0xf: {  	s10 =	ssub.s32 $0x2, s10;
	s9 =	sadd.s32 $0x8600, s11;
	[sflag:s8] =	ssyncadd.s32 $0xFFFF0000  }
0x10: {  	[hbm4b:s9+s3] =	stream.linear.scatter [tilespmem:s7], [sflag:$0x2], $0x10000, $0x38;
	[tilespmem:$0x12000] =	vst v63  }
0x11: {  	s12 =	sshrl.u32 s10, $0x1;
	_ =	swait.ge [sflag:s4], $0x10000  }
0x12: {  	s12 =	ssub.s32 s10, s12;
	[sflag:s4] =	ssyncset.done $0x0  }
0x13: {  	s31 =	smax.u32 s12, $0x1;
	[sflag:s4] =	ssyncadd.s32 $0xFFFF0000  }
0x14: {  	[tilespmem:s7], [sflag:$0x1] =	stream.indirect.gather [hbm4b:s2+s6], $0x10, s6, s6, $0xb8;
	[tilespmem:$0x12000] =	vst v63  }
0x15: {  	p0 =	sne.s32 s31, $0x1;
	_ =	swait.ge [sflag:s8], $0x10000  }
.Ltmp0:
0x16: {  	[sflag:s8] =	ssyncset.done $0x0;
	(pc) =	sbr.rel @!p0 .LBB2_2-.Ltmp0, $4  }
0x17: {  	s10 =	sadd.s32 $0xA600, s11;
	[sflag:s8] =	ssyncadd.s32 $0xFFFF0000  }
0x18: {  	[hbm4b:s10+s3] =	stream.linear.scatter [tilespmem:s7], [sflag:$0x2], $0x10000, $0x38;
	[tilespmem:$0x12000] =	vst v63  }
0x19: {  	_ =	swait.ge [sflag:s4], $0x10000  }
0x1a: {  	s11 =	sadd.s32 $0xFFFFFFFF, s31;
	[sflag:s4] =	ssyncset.done $0x0  }
.LBB2_1:
0x1b: {  	p0 =	sne.s32 s11, $0x1;
	s11 =	sadd.s32 $0xFFFFFFFF, s11;
	[sflag:s4] =	ssyncadd.s32 $0xFFFF0000  }
0x1c: {  	[tilespmem:s3], [sflag:$0x2] =	stream.linear.gather [hbm4b:s5+s3], $0x2000, $0x38;
	[tilespmem:$0x12000] =	vst v63  }
0x1d: {  	_ =	swait.ge [sflag:s4], $0x2000  }
0x1e: {  	[sflag:s4] =	ssyncset.done $0x0  }
0x1f: {  	[sflag:s4] =	ssyncadd.s32 $0xFFFFE000  }
0x20: {  	[tilespmem:s7], [sflag:$0x1] =	stream.indirect.gather [hbm4b:s2+s6], $0x10, s3, s6, $0xb8;
	[tilespmem:$0x12000] =	vst v63  }
0x21: {  	_ =	swait.ge [sflag:s8], $0x10000  }
0x22: {  	[sflag:s8] =	ssyncset.done $0x0  }
0x23: {  	[sflag:s8] =	ssyncadd.s32 $0xFFFF0000  }
0x24: {  	[hbm4b:s9+s3] =	stream.linear.scatter [tilespmem:s7], [sflag:$0x2], $0x10000, $0x38;
	[tilespmem:$0x12000] =	vst v63  }
0x25: {  	_ =	swait.ge [sflag:s4], $0x10000  }
0x26: {  	[sflag:s4] =	ssyncset.done $0x0  }
0x27: {  	[sflag:s4] =	ssyncadd.s32 $0xFFFF0000  }
0x28: {  	[tilespmem:s7], [sflag:$0x1] =	stream.indirect.gather [hbm4b:s2+s6], $0x10, s6, s6, $0xb8;
	[tilespmem:$0x12000] =	vst v63  }
0x29: {  	_ =	swait.ge [sflag:s8], $0x10000  }
.Ltmp1:
0x2a: {  	[sflag:s8] =	ssyncset.done $0x0;
	(pc) =	sbr.rel @p0 .LBB2_1-.Ltmp1, $4  }
0x2b: {  	[sflag:s8] =	ssyncadd.s32 $0xFFFF0000  }
0x2c: {  	[hbm4b:s10+s3] =	stream.linear.scatter [tilespmem:s7], [sflag:$0x2], $0x10000, $0x38;
	[tilespmem:$0x12000] =	vst v63  }
0x2d: {  	_ =	swait.ge [sflag:s4], $0x10000  }
0x2e: {  	[sflag:s4] =	ssyncset.done $0x0  }
.LBB2_2:
0x2f: {  	[sflag:s4] =	ssyncadd.s32 $0xFFFF0000  }
0x30: {  	_ =	sfence.sel $0x180000  }
0x31: {  	[bflag:$0x0] =	sbarrier.arrive $0xFFFF  }
0x32: {  	p0 =	sne.s32 s0, $0x0;
	_ =	strace $0x90000047  }
0x33: {  	s0 =	sadd.s32 @!p0 $0x100000, s1;
	[bflag:$0x2] =	sbarrier.arrive $0xFFFF  }
0x34: {  	[sflag:s0] =	ssyncadd.tile.s32 @!p0 $0x1;
	_ =	shalt  }
.Lfunc_end2:
_tile_overlayer_lowered:
.L_overlay_start_2:
0x35: {  	(tag) =	ssettag $0x2  }
0x36: {  	s0 =	rddreg [dreg:$0x0];
	s2 =	stileid.u32  }
0x37: {  	s1 =	rddreg [dreg:$0x1];
	p0 =	sne.s32 s2, $0x0  }
0x38: {  	s3 =	rddreg [dreg:$0x2];
	[bflag:$0x3] =	sbarrier.arrive $0xFFFF;
	s2 =	simm.s32 @!p0 $0x1C02  }
0x39: {  	[timem:s3], [sflag:s2] =	dma.local @!p0 [hbm:s0], s1  }
0x3a: {  	s0 =	simm.s32 @!p0 $0x2  }
0x3b: {  	_ =	swait.ge @!p0 [sflag:s0], s1  }
0x3c: {  	s1 =	ssub.s32 @!p0 $0x0, s1;
	[sflag:s0] =	ssyncset.done @!p0 $0x0  }
0x3d: {  	[sflag:s0] =	ssyncadd.s32 @!p0 s1  }
0x3e: {  	[bflag:$0x3] =	sbarrier.arrive $0xFFFF  }
0x3f: {  	_ =	shalt  }

</sc_bundles>
